<compile_context>
chip_gen: v7x
topology: tpu7x:2x2x1
jax: 0.10.2.dev20260603
libtpu: 0.0.44.dev20260713+nightly
codegen_flags: <defaults>
</compile_context>

<pallas_src>
import functools

import jax
import jax.numpy as jnp
from jax import lax
from jax.experimental import pallas as pl
from jax.experimental.pallas import tpu as pltpu
from jax.experimental.pallas import tpu_sc as plsc

N = 10000
E = 320000
G = 64
IN_DIM = 128
HID = 32
OUT = 32

NC = 2
NS = 16
NW = NC * NS
CHUNK = 128
NCH = 80
NB = 4
EP_TILE = CHUNK * NCH
E_PAD = EP_TILE * NW
STRIPE = 632
N_ACC = STRIPE * NS
PAD_DST = N
RB = 1000
GRID = N // RB

_SC_PARAMS = pltpu.CompilerParams(use_tc_tiling_on_sc=False)


def _zero_stripe(z_hbm, acc_sh, s):
    pltpu.sync_copy(
        z_hbm.at[pl.ds(s * STRIPE, STRIPE)],
        acc_sh.at[pl.ds(s * STRIPE, STRIPE)],
    )


@functools.cache
def _sc_kernels():
    mesh = plsc.VectorSubcoreMesh(core_axis_name="c", subcore_axis_name="s")

    @functools.partial(
        pl.kernel,
        out_type=jax.ShapeDtypeStruct((NC, N_ACC, 16), jnp.float32),
        mesh=mesh,
        compiler_params=_SC_PARAMS,
        scratch_types=[
            pltpu.VMEM((NCH, CHUNK), jnp.int32),
            pltpu.VMEM((CHUNK, 16), jnp.float32),
            pltpu.VMEM_SHARED((N_ACC, 16), jnp.float32),
            pltpu.SemaphoreType.DMA,
        ],
    )
    def _sc_degree(dst_hbm, z_hbm, ones_hbm, out_hbm, idx_v, ones_v, acc_sh,
                   sem):
        c = lax.axis_index("c")
        s = lax.axis_index("s")
        wid = s * NC + c

        _zero_stripe(z_hbm, acc_sh, s)
        pltpu.sync_copy(ones_hbm, ones_v)
        pltpu.sync_copy(dst_hbm.at[wid], idx_v)
        plsc.subcore_barrier()

        def body(k, _):
            pltpu.sync_copy(ones_v, acc_sh.at[idx_v.at[k]], add=True)
            return 0

        lax.fori_loop(0, NCH, body, 0)
        plsc.subcore_barrier()
        pltpu.sync_copy(
            acc_sh.at[pl.ds(s * STRIPE, STRIPE)],
            out_hbm.at[c, pl.ds(s * STRIPE, STRIPE)],
        )

    @functools.partial(
        pl.kernel,
        out_type=jax.ShapeDtypeStruct((NC, N_ACC, HID), jnp.float32),
        mesh=mesh,
        compiler_params=_SC_PARAMS,
        scratch_types=[
            pltpu.VMEM((NCH, CHUNK), jnp.int32),
            pltpu.VMEM((NCH, CHUNK), jnp.int32),
        ] + [pltpu.VMEM((CHUNK, HID), jnp.float32) for _ in range(NB)] + [
            pltpu.VMEM_SHARED((N_ACC, HID), jnp.float32),
        ] + [pltpu.SemaphoreType.DMA for _ in range(NB)],
    )
    def _sc_scatter(h_hbm, src_hbm, dst_hbm, z_hbm, out_hbm, src_v, dst_v,
                    *rest):
        rows = rest[:NB]
        acc_sh = rest[NB]
        sems = rest[NB + 1:]
        c = lax.axis_index("c")
        s = lax.axis_index("s")
        wid = s * NC + c

        _zero_stripe(z_hbm, acc_sh, s)

        pltpu.sync_copy(src_hbm.at[wid], src_v)
        pltpu.sync_copy(dst_hbm.at[wid], dst_v)
        plsc.subcore_barrier()

        def gather(k, b):
            pltpu.async_copy(
                h_hbm.at[src_v.at[k]], rows[b], sems[b])

        def gwait(b):
            pltpu.make_async_copy(
                h_hbm.at[src_v.at[0]], rows[b], sems[b]).wait()

        def scat(k, b):
            pltpu.sync_copy(
                rows[b], acc_sh.at[dst_v.at[k]], add=True)

        for b in range(NB):
            gather(b, b)

        def body(i, _):
            k0 = i * NB
            for b in range(NB):
                gwait(b)
                scat(k0 + b, b)
                gather(k0 + b + NB, b)
            return 0

        lax.fori_loop(0, NCH // NB - 1, body, 0)
        for b in range(NB):
            gwait(b)
            scat(NCH - NB + b, b)

        plsc.subcore_barrier()
        pltpu.sync_copy(
            acc_sh.at[pl.ds(s * STRIPE, STRIPE)],
            out_hbm.at[c, pl.ds(s * STRIPE, STRIPE)],
        )

    return _sc_degree, _sc_scatter


def _dinv_from(degp):
    deg = degp[0] + degp[1] + 1.0
    return lax.rsqrt(deg[:, 0:1])


def _tc_mm1_body(x_ref, w_ref, degp_ref, out_ref):
    dinv = _dinv_from(degp_ref[...])
    h = jnp.dot(x_ref[...], w_ref[...], preferred_element_type=jnp.float32)
    out_ref[...] = h * dinv


def _tc_mid_body(h_ref, sp_ref, degp_ref, w_ref, b_ref, out_ref):
    dinv = _dinv_from(degp_ref[...])
    sp = sp_ref[...]
    z = (h_ref[...] + sp[0] + sp[1]) * dinv + b_ref[...]
    h = jnp.maximum(z, 0.0)
    out_ref[...] = (
        jnp.dot(h, w_ref[...], preferred_element_type=jnp.float32) * dinv
    )


def _tc_pool_body(h_ref, qp_ref, degp_ref, b_ref, batch_ref, out_ref,
                  acc_ref, cnt_ref):
    i = pl.program_id(0)

    @pl.when(i == 0)
    def _():
        acc_ref[...] = jnp.zeros((G, OUT), jnp.float32)
        cnt_ref[...] = jnp.zeros((G, OUT), jnp.float32)

    dinv = _dinv_from(degp_ref[...])
    qp = qp_ref[...]
    rows = (h_ref[...] + qp[0] + qp[1]) * dinv + b_ref[...]
    gid = lax.broadcasted_iota(jnp.int32, (G, RB), 0)
    onehot = (gid == jnp.broadcast_to(batch_ref[0], (G, RB))).astype(
        jnp.float32)
    acc_ref[...] += jnp.dot(onehot, rows, preferred_element_type=jnp.float32)
    cnt_ref[...] += jnp.broadcast_to(
        jnp.sum(onehot, axis=1, keepdims=True), (G, OUT))

    @pl.when(i == GRID - 1)
    def _():
        out_ref[...] = acc_ref[...] / jnp.maximum(cnt_ref[...], 1.0)


_row_spec = lambda w: pl.BlockSpec((RB, w), lambda i: (i, 0))
_part_spec = lambda w: pl.BlockSpec((NC, RB, w), lambda i: (0, i, 0))
_full_spec = lambda a, b: pl.BlockSpec((a, b), lambda i: (0, 0))

_tc_mm1 = pl.pallas_call(
    _tc_mm1_body,
    grid=(GRID,),
    in_specs=[_row_spec(IN_DIM), _full_spec(IN_DIM, HID), _part_spec(16)],
    out_specs=_row_spec(HID),
    out_shape=jax.ShapeDtypeStruct((N, HID), jnp.float32),
)

_tc_mid = pl.pallas_call(
    _tc_mid_body,
    grid=(GRID,),
    in_specs=[_row_spec(HID), _part_spec(HID), _part_spec(16),
              _full_spec(HID, OUT), _full_spec(1, HID)],
    out_specs=_row_spec(OUT),
    out_shape=jax.ShapeDtypeStruct((N, OUT), jnp.float32),
)

_tc_pool = pl.pallas_call(
    _tc_pool_body,
    grid=(GRID,),
    in_specs=[_row_spec(OUT), _part_spec(OUT), _part_spec(16),
              _full_spec(1, OUT),
              pl.BlockSpec((1, 1, RB), lambda i: (i, 0, 0))],
    out_specs=_full_spec(G, OUT),
    out_shape=jax.ShapeDtypeStruct((G, OUT), jnp.float32),
    scratch_shapes=[pltpu.VMEM((G, OUT), jnp.float32),
                    pltpu.VMEM((G, OUT), jnp.float32)],
)


def kernel(x, edge_index, batch, W1, b1, W2, b2):
    src = edge_index[0].astype(jnp.int32)
    dst = edge_index[1].astype(jnp.int32)
    pad = E_PAD - E
    src3d = jnp.concatenate(
        [src, jnp.zeros((pad,), jnp.int32)]).reshape(NW, NCH, CHUNK)
    dst3d = jnp.concatenate(
        [dst, jnp.full((pad,), PAD_DST, jnp.int32)]).reshape(NW, NCH, CHUNK)
    batch3d = batch.astype(jnp.int32).reshape(GRID, 1, RB)

    z16 = jnp.zeros((N_ACC, 16), jnp.float32)
    z32 = jnp.zeros((N_ACC, HID), jnp.float32)
    ones16 = jnp.ones((CHUNK, 16), jnp.float32)

    sc_degree, sc_scatter = _sc_kernels()
    degp = sc_degree(dst3d, z16, ones16)
    h1p = _tc_mm1(x, W1, degp)
    sp = sc_scatter(h1p, src3d, dst3d, z32)
    h2p = _tc_mid(h1p, sp, degp, W2, b1.reshape(1, HID))
    qp = sc_scatter(h2p, src3d, dst3d, z32)
    return _tc_pool(h2p, qp, degp, b2.reshape(1, OUT), batch3d)

# --- scband reference (transcript-rebuilt; emitter-appended) ---
"""Pipeline reference for scband-sqlgnnencoder-88923002896888 (READ-ONLY COPY).

The authoritative reference and input builder live on the scoring server;
editing this copy changes nothing except your own understanding.
"""

import jax, jax.numpy as jnp
import numpy as np

N_NODES = 10000
N_EDGES = 320000
NUM_GRAPHS = 64
IN_DIM = 128
HID_DIM = 32
OUT_DIM = 32


def gcn_conv(x, edge_index, W, b):
    N = x.shape[0]
    loop = jnp.arange(N, dtype=edge_index.dtype)
    src = jnp.concatenate([edge_index[0], loop])
    dst = jnp.concatenate([edge_index[1], loop])
    h = x @ W
    deg = jnp.zeros((N,), dtype=h.dtype).at[dst].add(1.0)
    dinv = jnp.where(deg > 0, deg ** -0.5, 0.0)
    norm = dinv[src] * dinv[dst]
    msg = h[src] * norm[:, None]
    out = jnp.zeros((N, h.shape[1]), dtype=h.dtype).at[dst].add(msg)
    return out + b


def global_mean_pool(x, batch, num_graphs):
    s = jax.ops.segment_sum(x, batch, num_segments=num_graphs)
    cnt = jax.ops.segment_sum(jnp.ones((x.shape[0],), x.dtype), batch, num_segments=num_graphs)
    return s / jnp.maximum(cnt, 1.0)[:, None]


def setup_inputs(seed: int = 0):
    key = jax.random.key(seed)
    k1, k2, k3, k4, k5 = jax.random.split(key, 5)
    x = jax.random.normal(k1, (N_NODES, IN_DIM), dtype=jnp.float32)
    edge_index = jax.random.randint(k2, (2, N_EDGES), 0, N_NODES)
    batch = jnp.sort(jax.random.randint(k3, (N_NODES,), 0, NUM_GRAPHS))
    W1 = jax.random.normal(k4, (IN_DIM, HID_DIM), dtype=jnp.float32) * 0.1
    b1 = jnp.zeros((HID_DIM,), dtype=jnp.float32)
    W2 = jax.random.normal(k5, (HID_DIM, OUT_DIM), dtype=jnp.float32) * 0.1
    b2 = jnp.zeros((OUT_DIM,), dtype=jnp.float32)
    return {"x": x, "edge_index": edge_index, "batch": batch, "W1": W1, "b1": b1, "W2": W2, "b2": b2}


def reference(x, edge_index, batch, W1, b1, W2, b2):
    h = jax.nn.relu(gcn_conv(x, edge_index, W1, b1))
    h = gcn_conv(h, edge_index, W2, b2)
    return global_mean_pool(h, batch, NUM_GRAPHS)

if __name__ == "__main__":
    import jax
    _d = setup_inputs()
    print(jax.jit(kernel)(*tuple(_d.values())))

</pallas_src>

<mosaic_0001>
#map = affine_map<(d0, d1) -> (0, 0, 0)>
#map1 = affine_map<(d0, d1) -> (0, 0)>
module attributes {stable_mosaic.version = 14 : i64} {
  func.func @_sc_degree(%arg0: i32, %arg1: i32, %arg2: memref<32x80x128xi32, #tpu.memory_space<hbm>>, %arg3: memref<10112x16xf32, #tpu.memory_space<hbm>>, %arg4: memref<128x16xf32, #tpu.memory_space<hbm>>, %arg5: memref<2x10112x16xf32, #tpu.memory_space<hbm>>, %arg6: memref<80x128xi32, #tpu.memory_space<vmem>>, %arg7: memref<128x16xf32, #tpu.memory_space<vmem>>, %arg8: memref<10112x16xf32, #tpu.memory_space<vmem_shared>>, %arg9: memref<!tpu.dma_semaphore, #tpu.memory_space<semaphore_mem>>) attributes {dimension_semantics = [#tpu.dimension_semantics<core_parallel>, #tpu.dimension_semantics<subcore_parallel>], iteration_bounds = array<i64: 2, 16>, scalar_prefetch = 0 : i64, scratch_operands = 4 : i64, tpu.core_type = #tpu.core_type<sc_vector_subcore>, window_params = [{transform_indices = #map}, {transform_indices = #map1}, {transform_indices = #map1}, {transform_indices = #map}]} {
    %mul3A = arith.constant 2 : i32
    %mul3A_0 = arith.muli %arg1, %mul3A : i32
    %add3A = arith.addi %mul3A_0, %arg0 : i32
    %mul3A_1 = arith.constant 632 : i32
    %mul3A_2 = arith.muli %arg1, %mul3A_1 : i32
    %mul3A_3 = arith.constant 632 : i32
    %mul3A_4 = arith.muli %arg1, %mul3A_3 : i32
    "tpu.region"() ({
      %run_scoped3A = tpu.sem_alloc : memref<!tpu.dma_semaphore, #tpu.memory_space<semaphore_mem>>
      %dma_start3A = arith.constant 0 : i32
      %dma_start3A_16 = tpu.memref_slice %arg8[%mul3A_4, %dma_start3A] : memref<10112x16xf32, #tpu.memory_space<vmem_shared>> -> memref<632x16xf32, #tpu.memory_space<vmem_shared>>
      %dma_start3A_17 = arith.constant 0 : i32
      %dma_start3A_18 = tpu.memref_slice %arg3[%mul3A_2, %dma_start3A_17] : memref<10112x16xf32, #tpu.memory_space<hbm>> -> memref<632x16xf32, #tpu.memory_space<hbm>>
      tpu.enqueue_dma source(%dma_start3A_18 : memref<632x16xf32, #tpu.memory_space<hbm>>) target(%dma_start3A_16 : memref<632x16xf32, #tpu.memory_space<vmem_shared>>) target_semaphore(%run_scoped3A : memref<!tpu.dma_semaphore, #tpu.memory_space<semaphore_mem>>)
      %dma_wait3A = arith.constant 0 : i32
      %dma_wait3A_19 = tpu.memref_slice %arg8[%mul3A_4, %dma_wait3A] : memref<10112x16xf32, #tpu.memory_space<vmem_shared>> -> memref<632x16xf32, #tpu.memory_space<vmem_shared>>
      %dma_wait3A_20 = arith.constant 0 : i32
      %dma_wait3A_21 = tpu.memref_slice %arg3[%mul3A_2, %dma_wait3A_20] : memref<10112x16xf32, #tpu.memory_space<hbm>> -> memref<632x16xf32, #tpu.memory_space<hbm>>
      tpu.wait_dma2 semaphore(%run_scoped3A : memref<!tpu.dma_semaphore, #tpu.memory_space<semaphore_mem>>) src(%dma_wait3A_21 : memref<632x16xf32, #tpu.memory_space<hbm>>) dst(%dma_wait3A_19 : memref<632x16xf32, #tpu.memory_space<vmem_shared>>)
      tpu.yield
    }) : () -> ()
    "tpu.region"() ({
      %run_scoped3A = tpu.sem_alloc : memref<!tpu.dma_semaphore, #tpu.memory_space<semaphore_mem>>
      tpu.enqueue_dma source(%arg4 : memref<128x16xf32, #tpu.memory_space<hbm>>) target(%arg7 : memref<128x16xf32, #tpu.memory_space<vmem>>) target_semaphore(%run_scoped3A : memref<!tpu.dma_semaphore, #tpu.memory_space<semaphore_mem>>)
      tpu.wait_dma2 semaphore(%run_scoped3A : memref<!tpu.dma_semaphore, #tpu.memory_space<semaphore_mem>>) src(%arg4 : memref<128x16xf32, #tpu.memory_space<hbm>>) dst(%arg7 : memref<128x16xf32, #tpu.memory_space<vmem>>)
      tpu.yield
    }) : () -> ()
    "tpu.region"() ({
      %run_scoped3A = tpu.sem_alloc : memref<!tpu.dma_semaphore, #tpu.memory_space<semaphore_mem>>
      %dma_start3A = arith.constant 0 : i32
      %dma_start3A_16 = arith.constant 0 : i32
      %dma_start3A_17 = tpu.memref_slice %arg2[%add3A, %dma_start3A, %dma_start3A_16] : memref<32x80x128xi32, #tpu.memory_space<hbm>> -> memref<1x80x128xi32, #tpu.memory_space<hbm>>
      %dma_start3A_18 = tpu.memref_squeeze %dma_start3A_17 : memref<1x80x128xi32, #tpu.memory_space<hbm>> -> memref<80x128xi32, #tpu.memory_space<hbm>>
      %dma_start3A_19 = arith.constant 0 : i32
      %dma_start3A_20 = arith.constant 0 : i32
      %dma_start3A_21 = tpu.memref_slice %arg2[%add3A, %dma_start3A_19, %dma_start3A_20] : memref<32x80x128xi32, #tpu.memory_space<hbm>> -> memref<1x80x128xi32, #tpu.memory_space<hbm>>
      %dma_start3A_22 = tpu.memref_squeeze %dma_start3A_21 : memref<1x80x128xi32, #tpu.memory_space<hbm>> -> memref<80x128xi32, #tpu.memory_space<hbm>>
      tpu.enqueue_dma source(%dma_start3A_22 : memref<80x128xi32, #tpu.memory_space<hbm>>) target(%arg6 : memref<80x128xi32, #tpu.memory_space<vmem>>) target_semaphore(%run_scoped3A : memref<!tpu.dma_semaphore, #tpu.memory_space<semaphore_mem>>)
      %dma_wait3A = arith.constant 0 : i32
      %dma_wait3A_23 = arith.constant 0 : i32
      %dma_wait3A_24 = tpu.memref_slice %arg2[%add3A, %dma_wait3A, %dma_wait3A_23] : memref<32x80x128xi32, #tpu.memory_space<hbm>> -> memref<1x80x128xi32, #tpu.memory_space<hbm>>
      %dma_wait3A_25 = tpu.memref_squeeze %dma_wait3A_24 : memref<1x80x128xi32, #tpu.memory_space<hbm>> -> memref<80x128xi32, #tpu.memory_space<hbm>>
      %dma_wait3A_26 = arith.constant 0 : i32
      %dma_wait3A_27 = arith.constant 0 : i32
      %dma_wait3A_28 = tpu.memref_slice %arg2[%add3A, %dma_wait3A_26, %dma_wait3A_27] : memref<32x80x128xi32, #tpu.memory_space<hbm>> -> memref<1x80x128xi32, #tpu.memory_space<hbm>>
      %dma_wait3A_29 = tpu.memref_squeeze %dma_wait3A_28 : memref<1x80x128xi32, #tpu.memory_space<hbm>> -> memref<80x128xi32, #tpu.memory_space<hbm>>
      tpu.wait_dma2 semaphore(%run_scoped3A : memref<!tpu.dma_semaphore, #tpu.memory_space<semaphore_mem>>) src(%dma_wait3A_29 : memref<80x128xi32, #tpu.memory_space<hbm>>) dst(%arg6 : memref<80x128xi32, #tpu.memory_space<vmem>>)
      tpu.yield
    }) : () -> ()
    %barrier3A = arith.constant 0 : index
    tpu.barrier barrier_id(%barrier3A)
    %scan3A = arith.constant 0 : i32
    %scan3A_5 = arith.constant 0 : i32
    %scan3A_6 = arith.constant 80 : i32
    %scan3A_7 = arith.addi %scan3A_5, %scan3A_6 : i32
    %scan3A_8 = arith.constant 1 : i32
    %scan3A_9 = scf.for %scan3A_16 = %scan3A_5 to %scan3A_7 step %scan3A_8 iter_args(%scan3A_17 = %scan3A) -> (i32)  : i32 {
      "tpu.region"() ({
        %run_scoped3A = tpu.sem_alloc : memref<!tpu.dma_semaphore, #tpu.memory_space<semaphore_mem>>
        %dma_start3A = arith.constant 0 : i32
        %dma_start3A_19 = tpu.memref_slice %arg6[%scan3A_16, %dma_start3A] : memref<80x128xi32, #tpu.memory_space<vmem>> -> memref<1x128xi32, #tpu.memory_space<vmem>>
        %dma_start3A_20 = tpu.memref_squeeze %dma_start3A_19 : memref<1x128xi32, #tpu.memory_space<vmem>> -> memref<128xi32, #tpu.memory_space<vmem>>
        %dma_start3A_21 = arith.constant 0 : i32
        %dma_start3A_22 = arith.constant 0 : i32
        %dma_start3A_23 = tpu.memref_slice %arg8[%dma_start3A_21, %dma_start3A_22] : memref<10112x16xf32, #tpu.memory_space<vmem_shared>> -> memref<10112x16xf32, #tpu.memory_space<vmem_shared>>
        tpu.enqueue_indirect_dma source(%arg7 : memref<128x16xf32, #tpu.memory_space<vmem>>) target(%dma_start3A_23 : memref<10112x16xf32, #tpu.memory_space<vmem_shared>>) offsets(%dma_start3A_20 : memref<128xi32, #tpu.memory_space<vmem>>) semaphore(%run_scoped3A : memref<!tpu.dma_semaphore, #tpu.memory_space<semaphore_mem>>) {add = true}
        %dma_wait3A = arith.constant 0 : i32
        %dma_wait3A_24 = tpu.memref_slice %arg6[%scan3A_16, %dma_wait3A] : memref<80x128xi32, #tpu.memory_space<vmem>> -> memref<1x128xi32, #tpu.memory_space<vmem>>
        %dma_wait3A_25 = tpu.memref_squeeze %dma_wait3A_24 : memref<1x128xi32, #tpu.memory_space<vmem>> -> memref<128xi32, #tpu.memory_space<vmem>>
        %dma_wait3A_26 = arith.constant 0 : i32
        %dma_wait3A_27 = arith.constant 0 : i32
        %dma_wait3A_28 = tpu.memref_slice %arg8[%dma_wait3A_26, %dma_wait3A_27] : memref<10112x16xf32, #tpu.memory_space<vmem_shared>> -> memref<10112x16xf32, #tpu.memory_space<vmem_shared>>
        tpu.wait_indirect_dma semaphore(%run_scoped3A : memref<!tpu.dma_semaphore, #tpu.memory_space<semaphore_mem>>) src(%arg7 : memref<128x16xf32, #tpu.memory_space<vmem>>) dst(%dma_wait3A_28 : memref<10112x16xf32, #tpu.memory_space<vmem_shared>>)
        tpu.yield
      }) : () -> ()
      %scan3A_18 = arith.constant 0 : i32
      scf.yield %scan3A_18 : i32
    }
    %scan3A_10 = arith.constant 80 : i32
    %barrier3A_11 = arith.constant 0 : index
    tpu.barrier barrier_id(%barrier3A_11)
    %mul3A_12 = arith.constant 632 : i32
    %mul3A_13 = arith.muli %arg1, %mul3A_12 : i32
    %mul3A_14 = arith.constant 632 : i32
    %mul3A_15 = arith.muli %arg1, %mul3A_14 : i32
    "tpu.region"() ({
      %run_scoped3A = tpu.sem_alloc : memref<!tpu.dma_semaphore, #tpu.memory_space<semaphore_mem>>
      %dma_start3A = arith.constant 0 : i32
      %dma_start3A_16 = tpu.memref_slice %arg5[%arg0, %mul3A_15, %dma_start3A] : memref<2x10112x16xf32, #tpu.memory_space<hbm>> -> memref<1x632x16xf32, #tpu.memory_space<hbm>>
      %dma_start3A_17 = tpu.memref_squeeze %dma_start3A_16 : memref<1x632x16xf32, #tpu.memory_space<hbm>> -> memref<632x16xf32, #tpu.memory_space<hbm>>
      %dma_start3A_18 = arith.constant 0 : i32
      %dma_start3A_19 = tpu.memref_slice %arg8[%mul3A_13, %dma_start3A_18] : memref<10112x16xf32, #tpu.memory_space<vmem_shared>> -> memref<632x16xf32, #tpu.memory_space<vmem_shared>>
      tpu.enqueue_dma source(%dma_start3A_19 : memref<632x16xf32, #tpu.memory_space<vmem_shared>>) target(%dma_start3A_17 : memref<632x16xf32, #tpu.memory_space<hbm>>) target_semaphore(%run_scoped3A : memref<!tpu.dma_semaphore, #tpu.memory_space<semaphore_mem>>)
      %dma_wait3A = arith.constant 0 : i32
      %dma_wait3A_20 = tpu.memref_slice %arg5[%arg0, %mul3A_15, %dma_wait3A] : memref<2x10112x16xf32, #tpu.memory_space<hbm>> -> memref<1x632x16xf32, #tpu.memory_space<hbm>>
      %dma_wait3A_21 = tpu.memref_squeeze %dma_wait3A_20 : memref<1x632x16xf32, #tpu.memory_space<hbm>> -> memref<632x16xf32, #tpu.memory_space<hbm>>
      %dma_wait3A_22 = arith.constant 0 : i32
      %dma_wait3A_23 = tpu.memref_slice %arg8[%mul3A_13, %dma_wait3A_22] : memref<10112x16xf32, #tpu.memory_space<vmem_shared>> -> memref<632x16xf32, #tpu.memory_space<vmem_shared>>
      tpu.wait_dma2 semaphore(%run_scoped3A : memref<!tpu.dma_semaphore, #tpu.memory_space<semaphore_mem>>) src(%dma_wait3A_23 : memref<632x16xf32, #tpu.memory_space<vmem_shared>>) dst(%dma_wait3A_21 : memref<632x16xf32, #tpu.memory_space<hbm>>)
      tpu.yield
    }) : () -> ()
    return
  }
}

#map = affine_map<(d0, d1) -> (0, 0)>
#map1 = affine_map<(d0, d1) -> (0, 0, 0)>
module attributes {stable_mosaic.version = 14 : i64} {
  func.func @_sc_scatter(%arg0: i32, %arg1: i32, %arg2: memref<10000x32xf32, #tpu.memory_space<hbm>>, %arg3: memref<32x80x128xi32, #tpu.memory_space<hbm>>, %arg4: memref<32x80x128xi32, #tpu.memory_space<hbm>>, %arg5: memref<10112x32xf32, #tpu.memory_space<hbm>>, %arg6: memref<2x10112x32xf32, #tpu.memory_space<hbm>>, %arg7: memref<80x128xi32, #tpu.memory_space<vmem>>, %arg8: memref<80x128xi32, #tpu.memory_space<vmem>>, %arg9: memref<128x32xf32, #tpu.memory_space<vmem>>, %arg10: memref<128x32xf32, #tpu.memory_space<vmem>>, %arg11: memref<128x32xf32, #tpu.memory_space<vmem>>, %arg12: memref<128x32xf32, #tpu.memory_space<vmem>>, %arg13: memref<10112x32xf32, #tpu.memory_space<vmem_shared>>, %arg14: memref<!tpu.dma_semaphore, #tpu.memory_space<semaphore_mem>>, %arg15: memref<!tpu.dma_semaphore, #tpu.memory_space<semaphore_mem>>, %arg16: memref<!tpu.dma_semaphore, #tpu.memory_space<semaphore_mem>>, %arg17: memref<!tpu.dma_semaphore, #tpu.memory_space<semaphore_mem>>) attributes {dimension_semantics = [#tpu.dimension_semantics<core_parallel>, #tpu.dimension_semantics<subcore_parallel>], iteration_bounds = array<i64: 2, 16>, scalar_prefetch = 0 : i64, scratch_operands = 11 : i64, tpu.core_type = #tpu.core_type<sc_vector_subcore>, window_params = [{transform_indices = #map}, {transform_indices = #map1}, {transform_indices = #map1}, {transform_indices = #map}, {transform_indices = #map1}]} {
    %mul3A = arith.constant 2 : i32
    %mul3A_0 = arith.muli %arg1, %mul3A : i32
    %add3A = arith.addi %mul3A_0, %arg0 : i32
    %mul3A_1 = arith.constant 632 : i32
    %mul3A_2 = arith.muli %arg1, %mul3A_1 : i32
    %mul3A_3 = arith.constant 632 : i32
    %mul3A_4 = arith.muli %arg1, %mul3A_3 : i32
    "tpu.region"() ({
      %run_scoped3A_73 = tpu.sem_alloc : memref<!tpu.dma_semaphore, #tpu.memory_space<semaphore_mem>>
      %dma_start3A_74 = arith.constant 0 : i32
      %dma_start3A_75 = tpu.memref_slice %arg13[%mul3A_4, %dma_start3A_74] : memref<10112x32xf32, #tpu.memory_space<vmem_shared>> -> memref<632x32xf32, #tpu.memory_space<vmem_shared>>
      %dma_start3A_76 = arith.constant 0 : i32
      %dma_start3A_77 = tpu.memref_slice %arg5[%mul3A_2, %dma_start3A_76] : memref<10112x32xf32, #tpu.memory_space<hbm>> -> memref<632x32xf32, #tpu.memory_space<hbm>>
      tpu.enqueue_dma source(%dma_start3A_77 : memref<632x32xf32, #tpu.memory_space<hbm>>) target(%dma_start3A_75 : memref<632x32xf32, #tpu.memory_space<vmem_shared>>) target_semaphore(%run_scoped3A_73 : memref<!tpu.dma_semaphore, #tpu.memory_space<semaphore_mem>>)
      %dma_wait3A_78 = arith.constant 0 : i32
      %dma_wait3A_79 = tpu.memref_slice %arg13[%mul3A_4, %dma_wait3A_78] : memref<10112x32xf32, #tpu.memory_space<vmem_shared>> -> memref<632x32xf32, #tpu.memory_space<vmem_shared>>
      %dma_wait3A_80 = arith.constant 0 : i32
      %dma_wait3A_81 = tpu.memref_slice %arg5[%mul3A_2, %dma_wait3A_80] : memref<10112x32xf32, #tpu.memory_space<hbm>> -> memref<632x32xf32, #tpu.memory_space<hbm>>
      tpu.wait_dma2 semaphore(%run_scoped3A_73 : memref<!tpu.dma_semaphore, #tpu.memory_space<semaphore_mem>>) src(%dma_wait3A_81 : memref<632x32xf32, #tpu.memory_space<hbm>>) dst(%dma_wait3A_79 : memref<632x32xf32, #tpu.memory_space<vmem_shared>>)
      tpu.yield
    }) : () -> ()
    "tpu.region"() ({
      %run_scoped3A_73 = tpu.sem_alloc : memref<!tpu.dma_semaphore, #tpu.memory_space<semaphore_mem>>
      %dma_start3A_74 = arith.constant 0 : i32
      %dma_start3A_75 = arith.constant 0 : i32
      %dma_start3A_76 = tpu.memref_slice %arg3[%add3A, %dma_start3A_74, %dma_start3A_75] : memref<32x80x128xi32, #tpu.memory_space<hbm>> -> memref<1x80x128xi32, #tpu.memory_space<hbm>>
      %dma_start3A_77 = tpu.memref_squeeze %dma_start3A_76 : memref<1x80x128xi32, #tpu.memory_space<hbm>> -> memref<80x128xi32, #tpu.memory_space<hbm>>
      %dma_start3A_78 = arith.constant 0 : i32
      %dma_start3A_79 = arith.constant 0 : i32
      %dma_start3A_80 = tpu.memref_slice %arg3[%add3A, %dma_start3A_78, %dma_start3A_79] : memref<32x80x128xi32, #tpu.memory_space<hbm>> -> memref<1x80x128xi32, #tpu.memory_space<hbm>>
      %dma_start3A_81 = tpu.memref_squeeze %dma_start3A_80 : memref<1x80x128xi32, #tpu.memory_space<hbm>> -> memref<80x128xi32, #tpu.memory_space<hbm>>
      tpu.enqueue_dma source(%dma_start3A_81 : memref<80x128xi32, #tpu.memory_space<hbm>>) target(%arg7 : memref<80x128xi32, #tpu.memory_space<vmem>>) target_semaphore(%run_scoped3A_73 : memref<!tpu.dma_semaphore, #tpu.memory_space<semaphore_mem>>)
      %dma_wait3A_82 = arith.constant 0 : i32
      %dma_wait3A_83 = arith.constant 0 : i32
      %dma_wait3A_84 = tpu.memref_slice %arg3[%add3A, %dma_wait3A_82, %dma_wait3A_83] : memref<32x80x128xi32, #tpu.memory_space<hbm>> -> memref<1x80x128xi32, #tpu.memory_space<hbm>>
      %dma_wait3A_85 = tpu.memref_squeeze %dma_wait3A_84 : memref<1x80x128xi32, #tpu.memory_space<hbm>> -> memref<80x128xi32, #tpu.memory_space<hbm>>
      %dma_wait3A_86 = arith.constant 0 : i32
      %dma_wait3A_87 = arith.constant 0 : i32
      %dma_wait3A_88 = tpu.memref_slice %arg3[%add3A, %dma_wait3A_86, %dma_wait3A_87] : memref<32x80x128xi32, #tpu.memory_space<hbm>> -> memref<1x80x128xi32, #tpu.memory_space<hbm>>
      %dma_wait3A_89 = tpu.memref_squeeze %dma_wait3A_88 : memref<1x80x128xi32, #tpu.memory_space<hbm>> -> memref<80x128xi32, #tpu.memory_space<hbm>>
      tpu.wait_dma2 semaphore(%run_scoped3A_73 : memref<!tpu.dma_semaphore, #tpu.memory_space<semaphore_mem>>) src(%dma_wait3A_89 : memref<80x128xi32, #tpu.memory_space<hbm>>) dst(%arg7 : memref<80x128xi32, #tpu.memory_space<vmem>>)
      tpu.yield
    }) : () -> ()
    "tpu.region"() ({
      %run_scoped3A_73 = tpu.sem_alloc : memref<!tpu.dma_semaphore, #tpu.memory_space<semaphore_mem>>
      %dma_start3A_74 = arith.constant 0 : i32
      %dma_start3A_75 = arith.constant 0 : i32
      %dma_start3A_76 = tpu.memref_slice %arg4[%add3A, %dma_start3A_74, %dma_start3A_75] : memref<32x80x128xi32, #tpu.memory_space<hbm>> -> memref<1x80x128xi32, #tpu.memory_space<hbm>>
      %dma_start3A_77 = tpu.memref_squeeze %dma_start3A_76 : memref<1x80x128xi32, #tpu.memory_space<hbm>> -> memref<80x128xi32, #tpu.memory_space<hbm>>
      %dma_start3A_78 = arith.constant 0 : i32
      %dma_start3A_79 = arith.constant 0 : i32
      %dma_start3A_80 = tpu.memref_slice %arg4[%add3A, %dma_start3A_78, %dma_start3A_79] : memref<32x80x128xi32, #tpu.memory_space<hbm>> -> memref<1x80x128xi32, #tpu.memory_space<hbm>>
      %dma_start3A_81 = tpu.memref_squeeze %dma_start3A_80 : memref<1x80x128xi32, #tpu.memory_space<hbm>> -> memref<80x128xi32, #tpu.memory_space<hbm>>
      tpu.enqueue_dma source(%dma_start3A_81 : memref<80x128xi32, #tpu.memory_space<hbm>>) target(%arg8 : memref<80x128xi32, #tpu.memory_space<vmem>>) target_semaphore(%run_scoped3A_73 : memref<!tpu.dma_semaphore, #tpu.memory_space<semaphore_mem>>)
      %dma_wait3A_82 = arith.constant 0 : i32
      %dma_wait3A_83 = arith.constant 0 : i32
      %dma_wait3A_84 = tpu.memref_slice %arg4[%add3A, %dma_wait3A_82, %dma_wait3A_83] : memref<32x80x128xi32, #tpu.memory_space<hbm>> -> memref<1x80x128xi32, #tpu.memory_space<hbm>>
      %dma_wait3A_85 = tpu.memref_squeeze %dma_wait3A_84 : memref<1x80x128xi32, #tpu.memory_space<hbm>> -> memref<80x128xi32, #tpu.memory_space<hbm>>
      %dma_wait3A_86 = arith.constant 0 : i32
      %dma_wait3A_87 = arith.constant 0 : i32
      %dma_wait3A_88 = tpu.memref_slice %arg4[%add3A, %dma_wait3A_86, %dma_wait3A_87] : memref<32x80x128xi32, #tpu.memory_space<hbm>> -> memref<1x80x128xi32, #tpu.memory_space<hbm>>
      %dma_wait3A_89 = tpu.memref_squeeze %dma_wait3A_88 : memref<1x80x128xi32, #tpu.memory_space<hbm>> -> memref<80x128xi32, #tpu.memory_space<hbm>>
      tpu.wait_dma2 semaphore(%run_scoped3A_73 : memref<!tpu.dma_semaphore, #tpu.memory_space<semaphore_mem>>) src(%dma_wait3A_89 : memref<80x128xi32, #tpu.memory_space<hbm>>) dst(%arg8 : memref<80x128xi32, #tpu.memory_space<vmem>>)
      tpu.yield
    }) : () -> ()
    %barrier3A = arith.constant 0 : index
    tpu.barrier barrier_id(%barrier3A)
    %dma_start3A = arith.constant 0 : i32
    %dma_start3A_5 = arith.constant 0 : i32
    %dma_start3A_6 = tpu.memref_slice %arg7[%dma_start3A, %dma_start3A_5] : memref<80x128xi32, #tpu.memory_space<vmem>> -> memref<1x128xi32, #tpu.memory_space<vmem>>
    %dma_start3A_7 = tpu.memref_squeeze %dma_start3A_6 : memref<1x128xi32, #tpu.memory_space<vmem>> -> memref<128xi32, #tpu.memory_space<vmem>>
    %dma_start3A_8 = arith.constant 0 : i32
    %dma_start3A_9 = arith.constant 0 : i32
    %dma_start3A_10 = tpu.memref_slice %arg2[%dma_start3A_8, %dma_start3A_9] : memref<10000x32xf32, #tpu.memory_space<hbm>> -> memref<10000x32xf32, #tpu.memory_space<hbm>>
    tpu.enqueue_indirect_dma source(%dma_start3A_10 : memref<10000x32xf32, #tpu.memory_space<hbm>>) target(%arg9 : memref<128x32xf32, #tpu.memory_space<vmem>>) offsets(%dma_start3A_7 : memref<128xi32, #tpu.memory_space<vmem>>) semaphore(%arg14 : memref<!tpu.dma_semaphore, #tpu.memory_space<semaphore_mem>>)
    %dma_start3A_11 = arith.constant 1 : i32
    %dma_start3A_12 = arith.constant 0 : i32
    %dma_start3A_13 = tpu.memref_slice %arg7[%dma_start3A_11, %dma_start3A_12] : memref<80x128xi32, #tpu.memory_space<vmem>> -> memref<1x128xi32, #tpu.memory_space<vmem>>
    %dma_start3A_14 = tpu.memref_squeeze %dma_start3A_13 : memref<1x128xi32, #tpu.memory_space<vmem>> -> memref<128xi32, #tpu.memory_space<vmem>>
    %dma_start3A_15 = arith.constant 0 : i32
    %dma_start3A_16 = arith.constant 0 : i32
    %dma_start3A_17 = tpu.memref_slice %arg2[%dma_start3A_15, %dma_start3A_16] : memref<10000x32xf32, #tpu.memory_space<hbm>> -> memref<10000x32xf32, #tpu.memory_space<hbm>>
    tpu.enqueue_indirect_dma source(%dma_start3A_17 : memref<10000x32xf32, #tpu.memory_space<hbm>>) target(%arg10 : memref<128x32xf32, #tpu.memory_space<vmem>>) offsets(%dma_start3A_14 : memref<128xi32, #tpu.memory_space<vmem>>) semaphore(%arg15 : memref<!tpu.dma_semaphore, #tpu.memory_space<semaphore_mem>>)
    %dma_start3A_18 = arith.constant 2 : i32
    %dma_start3A_19 = arith.constant 0 : i32
    %dma_start3A_20 = tpu.memref_slice %arg7[%dma_start3A_18, %dma_start3A_19] : memref<80x128xi32, #tpu.memory_space<vmem>> -> memref<1x128xi32, #tpu.memory_space<vmem>>
    %dma_start3A_21 = tpu.memref_squeeze %dma_start3A_20 : memref<1x128xi32, #tpu.memory_space<vmem>> -> memref<128xi32, #tpu.memory_space<vmem>>
    %dma_start3A_22 = arith.constant 0 : i32
    %dma_start3A_23 = arith.constant 0 : i32
    %dma_start3A_24 = tpu.memref_slice %arg2[%dma_start3A_22, %dma_start3A_23] : memref<10000x32xf32, #tpu.memory_space<hbm>> -> memref<10000x32xf32, #tpu.memory_space<hbm>>
    tpu.enqueue_indirect_dma source(%dma_start3A_24 : memref<10000x32xf32, #tpu.memory_space<hbm>>) target(%arg11 : memref<128x32xf32, #tpu.memory_space<vmem>>) offsets(%dma_start3A_21 : memref<128xi32, #tpu.memory_space<vmem>>) semaphore(%arg16 : memref<!tpu.dma_semaphore, #tpu.memory_space<semaphore_mem>>)
    %dma_start3A_25 = arith.constant 3 : i32
    %dma_start3A_26 = arith.constant 0 : i32
    %dma_start3A_27 = tpu.memref_slice %arg7[%dma_start3A_25, %dma_start3A_26] : memref<80x128xi32, #tpu.memory_space<vmem>> -> memref<1x128xi32, #tpu.memory_space<vmem>>
    %dma_start3A_28 = tpu.memref_squeeze %dma_start3A_27 : memref<1x128xi32, #tpu.memory_space<vmem>> -> memref<128xi32, #tpu.memory_space<vmem>>
    %dma_start3A_29 = arith.constant 0 : i32
    %dma_start3A_30 = arith.constant 0 : i32
    %dma_start3A_31 = tpu.memref_slice %arg2[%dma_start3A_29, %dma_start3A_30] : memref<10000x32xf32, #tpu.memory_space<hbm>> -> memref<10000x32xf32, #tpu.memory_space<hbm>>
    tpu.enqueue_indirect_dma source(%dma_start3A_31 : memref<10000x32xf32, #tpu.memory_space<hbm>>) target(%arg12 : memref<128x32xf32, #tpu.memory_space<vmem>>) offsets(%dma_start3A_28 : memref<128xi32, #tpu.memory_space<vmem>>) semaphore(%arg17 : memref<!tpu.dma_semaphore, #tpu.memory_space<semaphore_mem>>)
    %scan3A = arith.constant 0 : i32
    %scan3A_32 = arith.constant 0 : i32
    %scan3A_33 = arith.constant 19 : i32
    %scan3A_34 = arith.addi %scan3A_32, %scan3A_33 : i32
    %scan3A_35 = arith.constant 1 : i32
    %scan3A_36 = scf.for %scan3A_73 = %scan3A_32 to %scan3A_34 step %scan3A_35 iter_args(%scan3A_74 = %scan3A) -> (i32)  : i32 {
      %mul3A_75 = arith.constant 4 : i32
      %mul3A_76 = arith.muli %scan3A_73, %mul3A_75 : i32
      %dma_wait3A_77 = arith.constant 0 : i32
      %dma_wait3A_78 = arith.constant 0 : i32
      %dma_wait3A_79 = tpu.memref_slice %arg7[%dma_wait3A_77, %dma_wait3A_78] : memref<80x128xi32, #tpu.memory_space<vmem>> -> memref<1x128xi32, #tpu.memory_space<vmem>>
      %dma_wait3A_80 = tpu.memref_squeeze %dma_wait3A_79 : memref<1x128xi32, #tpu.memory_space<vmem>> -> memref<128xi32, #tpu.memory_space<vmem>>
      %dma_wait3A_81 = arith.constant 0 : i32
      %dma_wait3A_82 = arith.constant 0 : i32
      %dma_wait3A_83 = tpu.memref_slice %arg2[%dma_wait3A_81, %dma_wait3A_82] : memref<10000x32xf32, #tpu.memory_space<hbm>> -> memref<10000x32xf32, #tpu.memory_space<hbm>>
      tpu.wait_indirect_dma semaphore(%arg14 : memref<!tpu.dma_semaphore, #tpu.memory_space<semaphore_mem>>) src(%dma_wait3A_83 : memref<10000x32xf32, #tpu.memory_space<hbm>>) dst(%arg9 : memref<128x32xf32, #tpu.memory_space<vmem>>)
      %add3A_84 = arith.constant 0 : i32
      %add3A_85 = arith.addi %mul3A_76, %add3A_84 : i32
      "tpu.region"() ({
        %run_scoped3A_154 = tpu.sem_alloc : memref<!tpu.dma_semaphore, #tpu.memory_space<semaphore_mem>>
        %dma_start3A_155 = arith.constant 0 : i32
        %dma_start3A_156 = tpu.memref_slice %arg8[%add3A_85, %dma_start3A_155] : memref<80x128xi32, #tpu.memory_space<vmem>> -> memref<1x128xi32, #tpu.memory_space<vmem>>
        %dma_start3A_157 = tpu.memref_squeeze %dma_start3A_156 : memref<1x128xi32, #tpu.memory_space<vmem>> -> memref<128xi32, #tpu.memory_space<vmem>>
        %dma_start3A_158 = arith.constant 0 : i32
        %dma_start3A_159 = arith.constant 0 : i32
        %dma_start3A_160 = tpu.memref_slice %arg13[%dma_start3A_158, %dma_start3A_159] : memref<10112x32xf32, #tpu.memory_space<vmem_shared>> -> memref<10112x32xf32, #tpu.memory_space<vmem_shared>>
        tpu.enqueue_indirect_dma source(%arg9 : memref<128x32xf32, #tpu.memory_space<vmem>>) target(%dma_start3A_160 : memref<10112x32xf32, #tpu.memory_space<vmem_shared>>) offsets(%dma_start3A_157 : memref<128xi32, #tpu.memory_space<vmem>>) semaphore(%run_scoped3A_154 : memref<!tpu.dma_semaphore, #tpu.memory_space<semaphore_mem>>) {add = true}
        %dma_wait3A_161 = arith.constant 0 : i32
        %dma_wait3A_162 = tpu.memref_slice %arg8[%add3A_85, %dma_wait3A_161] : memref<80x128xi32, #tpu.memory_space<vmem>> -> memref<1x128xi32, #tpu.memory_space<vmem>>
        %dma_wait3A_163 = tpu.memref_squeeze %dma_wait3A_162 : memref<1x128xi32, #tpu.memory_space<vmem>> -> memref<128xi32, #tpu.memory_space<vmem>>
        %dma_wait3A_164 = arith.constant 0 : i32
        %dma_wait3A_165 = arith.constant 0 : i32
        %dma_wait3A_166 = tpu.memref_slice %arg13[%dma_wait3A_164, %dma_wait3A_165] : memref<10112x32xf32, #tpu.memory_space<vmem_shared>> -> memref<10112x32xf32, #tpu.memory_space<vmem_shared>>
        tpu.wait_indirect_dma semaphore(%run_scoped3A_154 : memref<!tpu.dma_semaphore, #tpu.memory_space<semaphore_mem>>) src(%arg9 : memref<128x32xf32, #tpu.memory_space<vmem>>) dst(%dma_wait3A_166 : memref<10112x32xf32, #tpu.memory_space<vmem_shared>>)
        tpu.yield
      }) : () -> ()
      %add3A_86 = arith.constant 0 : i32
      %add3A_87 = arith.addi %mul3A_76, %add3A_86 : i32
      %add3A_88 = arith.constant 4 : i32
      %add3A_89 = arith.addi %add3A_87, %add3A_88 : i32
      %dma_start3A_90 = arith.constant 0 : i32
      %dma_start3A_91 = tpu.memref_slice %arg7[%add3A_89, %dma_start3A_90] : memref<80x128xi32, #tpu.memory_space<vmem>> -> memref<1x128xi32, #tpu.memory_space<vmem>>
      %dma_start3A_92 = tpu.memref_squeeze %dma_start3A_91 : memref<1x128xi32, #tpu.memory_space<vmem>> -> memref<128xi32, #tpu.memory_space<vmem>>
      %dma_start3A_93 = arith.constant 0 : i32
      %dma_start3A_94 = arith.constant 0 : i32
      %dma_start3A_95 = tpu.memref_slice %arg2[%dma_start3A_93, %dma_start3A_94] : memref<10000x32xf32, #tpu.memory_space<hbm>> -> memref<10000x32xf32, #tpu.memory_space<hbm>>
      tpu.enqueue_indirect_dma source(%dma_start3A_95 : memref<10000x32xf32, #tpu.memory_space<hbm>>) target(%arg9 : memref<128x32xf32, #tpu.memory_space<vmem>>) offsets(%dma_start3A_92 : memref<128xi32, #tpu.memory_space<vmem>>) semaphore(%arg14 : memref<!tpu.dma_semaphore, #tpu.memory_space<semaphore_mem>>)
      %dma_wait3A_96 = arith.constant 0 : i32
      %dma_wait3A_97 = arith.constant 0 : i32
      %dma_wait3A_98 = tpu.memref_slice %arg7[%dma_wait3A_96, %dma_wait3A_97] : memref<80x128xi32, #tpu.memory_space<vmem>> -> memref<1x128xi32, #tpu.memory_space<vmem>>
      %dma_wait3A_99 = tpu.memref_squeeze %dma_wait3A_98 : memref<1x128xi32, #tpu.memory_space<vmem>> -> memref<128xi32, #tpu.memory_space<vmem>>
      %dma_wait3A_100 = arith.constant 0 : i32
      %dma_wait3A_101 = arith.constant 0 : i32
      %dma_wait3A_102 = tpu.memref_slice %arg2[%dma_wait3A_100, %dma_wait3A_101] : memref<10000x32xf32, #tpu.memory_space<hbm>> -> memref<10000x32xf32, #tpu.memory_space<hbm>>
      tpu.wait_indirect_dma semaphore(%arg15 : memref<!tpu.dma_semaphore, #tpu.memory_space<semaphore_mem>>) src(%dma_wait3A_102 : memref<10000x32xf32, #tpu.memory_space<hbm>>) dst(%arg10 : memref<128x32xf32, #tpu.memory_space<vmem>>)
      %add3A_103 = arith.constant 1 : i32
      %add3A_104 = arith.addi %mul3A_76, %add3A_103 : i32
      "tpu.region"() ({
        %run_scoped3A_154 = tpu.sem_alloc : memref<!tpu.dma_semaphore, #tpu.memory_space<semaphore_mem>>
        %dma_start3A_155 = arith.constant 0 : i32
        %dma_start3A_156 = tpu.memref_slice %arg8[%add3A_104, %dma_start3A_155] : memref<80x128xi32, #tpu.memory_space<vmem>> -> memref<1x128xi32, #tpu.memory_space<vmem>>
        %dma_start3A_157 = tpu.memref_squeeze %dma_start3A_156 : memref<1x128xi32, #tpu.memory_space<vmem>> -> memref<128xi32, #tpu.memory_space<vmem>>
        %dma_start3A_158 = arith.constant 0 : i32
        %dma_start3A_159 = arith.constant 0 : i32
        %dma_start3A_160 = tpu.memref_slice %arg13[%dma_start3A_158, %dma_start3A_159] : memref<10112x32xf32, #tpu.memory_space<vmem_shared>> -> memref<10112x32xf32, #tpu.memory_space<vmem_shared>>
        tpu.enqueue_indirect_dma source(%arg10 : memref<128x32xf32, #tpu.memory_space<vmem>>) target(%dma_start3A_160 : memref<10112x32xf32, #tpu.memory_space<vmem_shared>>) offsets(%dma_start3A_157 : memref<128xi32, #tpu.memory_space<vmem>>) semaphore(%run_scoped3A_154 : memref<!tpu.dma_semaphore, #tpu.memory_space<semaphore_mem>>) {add = true}
        %dma_wait3A_161 = arith.constant 0 : i32
        %dma_wait3A_162 = tpu.memref_slice %arg8[%add3A_104, %dma_wait3A_161] : memref<80x128xi32, #tpu.memory_space<vmem>> -> memref<1x128xi32, #tpu.memory_space<vmem>>
        %dma_wait3A_163 = tpu.memref_squeeze %dma_wait3A_162 : memref<1x128xi32, #tpu.memory_space<vmem>> -> memref<128xi32, #tpu.memory_space<vmem>>
        %dma_wait3A_164 = arith.constant 0 : i32
        %dma_wait3A_165 = arith.constant 0 : i32
        %dma_wait3A_166 = tpu.memref_slice %arg13[%dma_wait3A_164, %dma_wait3A_165] : memref<10112x32xf32, #tpu.memory_space<vmem_shared>> -> memref<10112x32xf32, #tpu.memory_space<vmem_shared>>
        tpu.wait_indirect_dma semaphore(%run_scoped3A_154 : memref<!tpu.dma_semaphore, #tpu.memory_space<semaphore_mem>>) src(%arg10 : memref<128x32xf32, #tpu.memory_space<vmem>>) dst(%dma_wait3A_166 : memref<10112x32xf32, #tpu.memory_space<vmem_shared>>)
        tpu.yield
      }) : () -> ()
      %add3A_105 = arith.constant 1 : i32
      %add3A_106 = arith.addi %mul3A_76, %add3A_105 : i32
      %add3A_107 = arith.constant 4 : i32
      %add3A_108 = arith.addi %add3A_106, %add3A_107 : i32
      %dma_start3A_109 = arith.constant 0 : i32
      %dma_start3A_110 = tpu.memref_slice %arg7[%add3A_108, %dma_start3A_109] : memref<80x128xi32, #tpu.memory_space<vmem>> -> memref<1x128xi32, #tpu.memory_space<vmem>>
      %dma_start3A_111 = tpu.memref_squeeze %dma_start3A_110 : memref<1x128xi32, #tpu.memory_space<vmem>> -> memref<128xi32, #tpu.memory_space<vmem>>
      %dma_start3A_112 = arith.constant 0 : i32
      %dma_start3A_113 = arith.constant 0 : i32
      %dma_start3A_114 = tpu.memref_slice %arg2[%dma_start3A_112, %dma_start3A_113] : memref<10000x32xf32, #tpu.memory_space<hbm>> -> memref<10000x32xf32, #tpu.memory_space<hbm>>
      tpu.enqueue_indirect_dma source(%dma_start3A_114 : memref<10000x32xf32, #tpu.memory_space<hbm>>) target(%arg10 : memref<128x32xf32, #tpu.memory_space<vmem>>) offsets(%dma_start3A_111 : memref<128xi32, #tpu.memory_space<vmem>>) semaphore(%arg15 : memref<!tpu.dma_semaphore, #tpu.memory_space<semaphore_mem>>)
      %dma_wait3A_115 = arith.constant 0 : i32
      %dma_wait3A_116 = arith.constant 0 : i32
      %dma_wait3A_117 = tpu.memref_slice %arg7[%dma_wait3A_115, %dma_wait3A_116] : memref<80x128xi32, #tpu.memory_space<vmem>> -> memref<1x128xi32, #tpu.memory_space<vmem>>
      %dma_wait3A_118 = tpu.memref_squeeze %dma_wait3A_117 : memref<1x128xi32, #tpu.memory_space<vmem>> -> memref<128xi32, #tpu.memory_space<vmem>>
      %dma_wait3A_119 = arith.constant 0 : i32
      %dma_wait3A_120 = arith.constant 0 : i32
      %dma_wait3A_121 = tpu.memref_slice %arg2[%dma_wait3A_119, %dma_wait3A_120] : memref<10000x32xf32, #tpu.memory_space<hbm>> -> memref<10000x32xf32, #tpu.memory_space<hbm>>
      tpu.wait_indirect_dma semaphore(%arg16 : memref<!tpu.dma_semaphore, #tpu.memory_space<semaphore_mem>>) src(%dma_wait3A_121 : memref<10000x32xf32, #tpu.memory_space<hbm>>) dst(%arg11 : memref<128x32xf32, #tpu.memory_space<vmem>>)
      %add3A_122 = arith.constant 2 : i32
      %add3A_123 = arith.addi %mul3A_76, %add3A_122 : i32
      "tpu.region"() ({
        %run_scoped3A_154 = tpu.sem_alloc : memref<!tpu.dma_semaphore, #tpu.memory_space<semaphore_mem>>
        %dma_start3A_155 = arith.constant 0 : i32
        %dma_start3A_156 = tpu.memref_slice %arg8[%add3A_123, %dma_start3A_155] : memref<80x128xi32, #tpu.memory_space<vmem>> -> memref<1x128xi32, #tpu.memory_space<vmem>>
        %dma_start3A_157 = tpu.memref_squeeze %dma_start3A_156 : memref<1x128xi32, #tpu.memory_space<vmem>> -> memref<128xi32, #tpu.memory_space<vmem>>
        %dma_start3A_158 = arith.constant 0 : i32
        %dma_start3A_159 = arith.constant 0 : i32
        %dma_start3A_160 = tpu.memref_slice %arg13[%dma_start3A_158, %dma_start3A_159] : memref<10112x32xf32, #tpu.memory_space<vmem_shared>> -> memref<10112x32xf32, #tpu.memory_space<vmem_shared>>
        tpu.enqueue_indirect_dma source(%arg11 : memref<128x32xf32, #tpu.memory_space<vmem>>) target(%dma_start3A_160 : memref<10112x32xf32, #tpu.memory_space<vmem_shared>>) offsets(%dma_start3A_157 : memref<128xi32, #tpu.memory_space<vmem>>) semaphore(%run_scoped3A_154 : memref<!tpu.dma_semaphore, #tpu.memory_space<semaphore_mem>>) {add = true}
        %dma_wait3A_161 = arith.constant 0 : i32
        %dma_wait3A_162 = tpu.memref_slice %arg8[%add3A_123, %dma_wait3A_161] : memref<80x128xi32, #tpu.memory_space<vmem>> -> memref<1x128xi32, #tpu.memory_space<vmem>>
        %dma_wait3A_163 = tpu.memref_squeeze %dma_wait3A_162 : memref<1x128xi32, #tpu.memory_space<vmem>> -> memref<128xi32, #tpu.memory_space<vmem>>
        %dma_wait3A_164 = arith.constant 0 : i32
        %dma_wait3A_165 = arith.constant 0 : i32
        %dma_wait3A_166 = tpu.memref_slice %arg13[%dma_wait3A_164, %dma_wait3A_165] : memref<10112x32xf32, #tpu.memory_space<vmem_shared>> -> memref<10112x32xf32, #tpu.memory_space<vmem_shared>>
        tpu.wait_indirect_dma semaphore(%run_scoped3A_154 : memref<!tpu.dma_semaphore, #tpu.memory_space<semaphore_mem>>) src(%arg11 : memref<128x32xf32, #tpu.memory_space<vmem>>) dst(%dma_wait3A_166 : memref<10112x32xf32, #tpu.memory_space<vmem_shared>>)
        tpu.yield
      }) : () -> ()
      %add3A_124 = arith.constant 2 : i32
      %add3A_125 = arith.addi %mul3A_76, %add3A_124 : i32
      %add3A_126 = arith.constant 4 : i32
      %add3A_127 = arith.addi %add3A_125, %add3A_126 : i32
      %dma_start3A_128 = arith.constant 0 : i32
      %dma_start3A_129 = tpu.memref_slice %arg7[%add3A_127, %dma_start3A_128] : memref<80x128xi32, #tpu.memory_space<vmem>> -> memref<1x128xi32, #tpu.memory_space<vmem>>
      %dma_start3A_130 = tpu.memref_squeeze %dma_start3A_129 : memref<1x128xi32, #tpu.memory_space<vmem>> -> memref<128xi32, #tpu.memory_space<vmem>>
      %dma_start3A_131 = arith.constant 0 : i32
      %dma_start3A_132 = arith.constant 0 : i32
      %dma_start3A_133 = tpu.memref_slice %arg2[%dma_start3A_131, %dma_start3A_132] : memref<10000x32xf32, #tpu.memory_space<hbm>> -> memref<10000x32xf32, #tpu.memory_space<hbm>>
      tpu.enqueue_indirect_dma source(%dma_start3A_133 : memref<10000x32xf32, #tpu.memory_space<hbm>>) target(%arg11 : memref<128x32xf32, #tpu.memory_space<vmem>>) offsets(%dma_start3A_130 : memref<128xi32, #tpu.memory_space<vmem>>) semaphore(%arg16 : memref<!tpu.dma_semaphore, #tpu.memory_space<semaphore_mem>>)
      %dma_wait3A_134 = arith.constant 0 : i32
      %dma_wait3A_135 = arith.constant 0 : i32
      %dma_wait3A_136 = tpu.memref_slice %arg7[%dma_wait3A_134, %dma_wait3A_135] : memref<80x128xi32, #tpu.memory_space<vmem>> -> memref<1x128xi32, #tpu.memory_space<vmem>>
      %dma_wait3A_137 = tpu.memref_squeeze %dma_wait3A_136 : memref<1x128xi32, #tpu.memory_space<vmem>> -> memref<128xi32, #tpu.memory_space<vmem>>
      %dma_wait3A_138 = arith.constant 0 : i32
      %dma_wait3A_139 = arith.constant 0 : i32
      %dma_wait3A_140 = tpu.memref_slice %arg2[%dma_wait3A_138, %dma_wait3A_139] : memref<10000x32xf32, #tpu.memory_space<hbm>> -> memref<10000x32xf32, #tpu.memory_space<hbm>>
      tpu.wait_indirect_dma semaphore(%arg17 : memref<!tpu.dma_semaphore, #tpu.memory_space<semaphore_mem>>) src(%dma_wait3A_140 : memref<10000x32xf32, #tpu.memory_space<hbm>>) dst(%arg12 : memref<128x32xf32, #tpu.memory_space<vmem>>)
      %add3A_141 = arith.constant 3 : i32
      %add3A_142 = arith.addi %mul3A_76, %add3A_141 : i32
      "tpu.region"() ({
        %run_scoped3A_154 = tpu.sem_alloc : memref<!tpu.dma_semaphore, #tpu.memory_space<semaphore_mem>>
        %dma_start3A_155 = arith.constant 0 : i32
        %dma_start3A_156 = tpu.memref_slice %arg8[%add3A_142, %dma_start3A_155] : memref<80x128xi32, #tpu.memory_space<vmem>> -> memref<1x128xi32, #tpu.memory_space<vmem>>
        %dma_start3A_157 = tpu.memref_squeeze %dma_start3A_156 : memref<1x128xi32, #tpu.memory_space<vmem>> -> memref<128xi32, #tpu.memory_space<vmem>>
        %dma_start3A_158 = arith.constant 0 : i32
        %dma_start3A_159 = arith.constant 0 : i32
        %dma_start3A_160 = tpu.memref_slice %arg13[%dma_start3A_158, %dma_start3A_159] : memref<10112x32xf32, #tpu.memory_space<vmem_shared>> -> memref<10112x32xf32, #tpu.memory_space<vmem_shared>>
        tpu.enqueue_indirect_dma source(%arg12 : memref<128x32xf32, #tpu.memory_space<vmem>>) target(%dma_start3A_160 : memref<10112x32xf32, #tpu.memory_space<vmem_shared>>) offsets(%dma_start3A_157 : memref<128xi32, #tpu.memory_space<vmem>>) semaphore(%run_scoped3A_154 : memref<!tpu.dma_semaphore, #tpu.memory_space<semaphore_mem>>) {add = true}
        %dma_wait3A_161 = arith.constant 0 : i32
        %dma_wait3A_162 = tpu.memref_slice %arg8[%add3A_142, %dma_wait3A_161] : memref<80x128xi32, #tpu.memory_space<vmem>> -> memref<1x128xi32, #tpu.memory_space<vmem>>
        %dma_wait3A_163 = tpu.memref_squeeze %dma_wait3A_162 : memref<1x128xi32, #tpu.memory_space<vmem>> -> memref<128xi32, #tpu.memory_space<vmem>>
        %dma_wait3A_164 = arith.constant 0 : i32
        %dma_wait3A_165 = arith.constant 0 : i32
        %dma_wait3A_166 = tpu.memref_slice %arg13[%dma_wait3A_164, %dma_wait3A_165] : memref<10112x32xf32, #tpu.memory_space<vmem_shared>> -> memref<10112x32xf32, #tpu.memory_space<vmem_shared>>
        tpu.wait_indirect_dma semaphore(%run_scoped3A_154 : memref<!tpu.dma_semaphore, #tpu.memory_space<semaphore_mem>>) src(%arg12 : memref<128x32xf32, #tpu.memory_space<vmem>>) dst(%dma_wait3A_166 : memref<10112x32xf32, #tpu.memory_space<vmem_shared>>)
        tpu.yield
      }) : () -> ()
      %add3A_143 = arith.constant 3 : i32
      %add3A_144 = arith.addi %mul3A_76, %add3A_143 : i32
      %add3A_145 = arith.constant 4 : i32
      %add3A_146 = arith.addi %add3A_144, %add3A_145 : i32
      %dma_start3A_147 = arith.constant 0 : i32
      %dma_start3A_148 = tpu.memref_slice %arg7[%add3A_146, %dma_start3A_147] : memref<80x128xi32, #tpu.memory_space<vmem>> -> memref<1x128xi32, #tpu.memory_space<vmem>>
      %dma_start3A_149 = tpu.memref_squeeze %dma_start3A_148 : memref<1x128xi32, #tpu.memory_space<vmem>> -> memref<128xi32, #tpu.memory_space<vmem>>
      %dma_start3A_150 = arith.constant 0 : i32
      %dma_start3A_151 = arith.constant 0 : i32
      %dma_start3A_152 = tpu.memref_slice %arg2[%dma_start3A_150, %dma_start3A_151] : memref<10000x32xf32, #tpu.memory_space<hbm>> -> memref<10000x32xf32, #tpu.memory_space<hbm>>
      tpu.enqueue_indirect_dma source(%dma_start3A_152 : memref<10000x32xf32, #tpu.memory_space<hbm>>) target(%arg12 : memref<128x32xf32, #tpu.memory_space<vmem>>) offsets(%dma_start3A_149 : memref<128xi32, #tpu.memory_space<vmem>>) semaphore(%arg17 : memref<!tpu.dma_semaphore, #tpu.memory_space<semaphore_mem>>)
      %scan3A_153 = arith.constant 0 : i32
      scf.yield %scan3A_153 : i32
    }
    %scan3A_37 = arith.constant 19 : i32
    %dma_wait3A = arith.constant 0 : i32
    %dma_wait3A_38 = arith.constant 0 : i32
    %dma_wait3A_39 = tpu.memref_slice %arg7[%dma_wait3A, %dma_wait3A_38] : memref<80x128xi32, #tpu.memory_space<vmem>> -> memref<1x128xi32, #tpu.memory_space<vmem>>
    %dma_wait3A_40 = tpu.memref_squeeze %dma_wait3A_39 : memref<1x128xi32, #tpu.memory_space<vmem>> -> memref<128xi32, #tpu.memory_space<vmem>>
    %dma_wait3A_41 = arith.constant 0 : i32
    %dma_wait3A_42 = arith.constant 0 : i32
    %dma_wait3A_43 = tpu.memref_slice %arg2[%dma_wait3A_41, %dma_wait3A_42] : memref<10000x32xf32, #tpu.memory_space<hbm>> -> memref<10000x32xf32, #tpu.memory_space<hbm>>
    tpu.wait_indirect_dma semaphore(%arg14 : memref<!tpu.dma_semaphore, #tpu.memory_space<semaphore_mem>>) src(%dma_wait3A_43 : memref<10000x32xf32, #tpu.memory_space<hbm>>) dst(%arg9 : memref<128x32xf32, #tpu.memory_space<vmem>>)
    %run_scoped3A = arith.constant 76 : i32
    "tpu.region"() ({
      %run_scoped3A_73 = tpu.sem_alloc : memref<!tpu.dma_semaphore, #tpu.memory_space<semaphore_mem>>
      %dma_start3A_74 = arith.constant 0 : i32
      %dma_start3A_75 = tpu.memref_slice %arg8[%run_scoped3A, %dma_start3A_74] : memref<80x128xi32, #tpu.memory_space<vmem>> -> memref<1x128xi32, #tpu.memory_space<vmem>>
      %dma_start3A_76 = tpu.memref_squeeze %dma_start3A_75 : memref<1x128xi32, #tpu.memory_space<vmem>> -> memref<128xi32, #tpu.memory_space<vmem>>
      %dma_start3A_77 = arith.constant 0 : i32
      %dma_start3A_78 = arith.constant 0 : i32
      %dma_start3A_79 = tpu.memref_slice %arg13[%dma_start3A_77, %dma_start3A_78] : memref<10112x32xf32, #tpu.memory_space<vmem_shared>> -> memref<10112x32xf32, #tpu.memory_space<vmem_shared>>
      tpu.enqueue_indirect_dma source(%arg9 : memref<128x32xf32, #tpu.memory_space<vmem>>) target(%dma_start3A_79 : memref<10112x32xf32, #tpu.memory_space<vmem_shared>>) offsets(%dma_start3A_76 : memref<128xi32, #tpu.memory_space<vmem>>) semaphore(%run_scoped3A_73 : memref<!tpu.dma_semaphore, #tpu.memory_space<semaphore_mem>>) {add = true}
      %dma_wait3A_80 = arith.constant 0 : i32
      %dma_wait3A_81 = tpu.memref_slice %arg8[%run_scoped3A, %dma_wait3A_80] : memref<80x128xi32, #tpu.memory_space<vmem>> -> memref<1x128xi32, #tpu.memory_space<vmem>>
      %dma_wait3A_82 = tpu.memref_squeeze %dma_wait3A_81 : memref<1x128xi32, #tpu.memory_space<vmem>> -> memref<128xi32, #tpu.memory_space<vmem>>
      %dma_wait3A_83 = arith.constant 0 : i32
      %dma_wait3A_84 = arith.constant 0 : i32
      %dma_wait3A_85 = tpu.memref_slice %arg13[%dma_wait3A_83, %dma_wait3A_84] : memref<10112x32xf32, #tpu.memory_space<vmem_shared>> -> memref<10112x32xf32, #tpu.memory_space<vmem_shared>>
      tpu.wait_indirect_dma semaphore(%run_scoped3A_73 : memref<!tpu.dma_semaphore, #tpu.memory_space<semaphore_mem>>) src(%arg9 : memref<128x32xf32, #tpu.memory_space<vmem>>) dst(%dma_wait3A_85 : memref<10112x32xf32, #tpu.memory_space<vmem_shared>>)
      tpu.yield
    }) : () -> ()
    %dma_wait3A_44 = arith.constant 0 : i32
    %dma_wait3A_45 = arith.constant 0 : i32
    %dma_wait3A_46 = tpu.memref_slice %arg7[%dma_wait3A_44, %dma_wait3A_45] : memref<80x128xi32, #tpu.memory_space<vmem>> -> memref<1x128xi32, #tpu.memory_space<vmem>>
    %dma_wait3A_47 = tpu.memref_squeeze %dma_wait3A_46 : memref<1x128xi32, #tpu.memory_space<vmem>> -> memref<128xi32, #tpu.memory_space<vmem>>
    %dma_wait3A_48 = arith.constant 0 : i32
    %dma_wait3A_49 = arith.constant 0 : i32
    %dma_wait3A_50 = tpu.memref_slice %arg2[%dma_wait3A_48, %dma_wait3A_49] : memref<10000x32xf32, #tpu.memory_space<hbm>> -> memref<10000x32xf32, #tpu.memory_space<hbm>>
    tpu.wait_indirect_dma semaphore(%arg15 : memref<!tpu.dma_semaphore, #tpu.memory_space<semaphore_mem>>) src(%dma_wait3A_50 : memref<10000x32xf32, #tpu.memory_space<hbm>>) dst(%arg10 : memref<128x32xf32, #tpu.memory_space<vmem>>)
    %run_scoped3A_51 = arith.constant 77 : i32
    "tpu.region"() ({
      %run_scoped3A_73 = tpu.sem_alloc : memref<!tpu.dma_semaphore, #tpu.memory_space<semaphore_mem>>
      %dma_start3A_74 = arith.constant 0 : i32
      %dma_start3A_75 = tpu.memref_slice %arg8[%run_scoped3A_51, %dma_start3A_74] : memref<80x128xi32, #tpu.memory_space<vmem>> -> memref<1x128xi32, #tpu.memory_space<vmem>>
      %dma_start3A_76 = tpu.memref_squeeze %dma_start3A_75 : memref<1x128xi32, #tpu.memory_space<vmem>> -> memref<128xi32, #tpu.memory_space<vmem>>
      %dma_start3A_77 = arith.constant 0 : i32
      %dma_start3A_78 = arith.constant 0 : i32
      %dma_start3A_79 = tpu.memref_slice %arg13[%dma_start3A_77, %dma_start3A_78] : memref<10112x32xf32, #tpu.memory_space<vmem_shared>> -> memref<10112x32xf32, #tpu.memory_space<vmem_shared>>
      tpu.enqueue_indirect_dma source(%arg10 : memref<128x32xf32, #tpu.memory_space<vmem>>) target(%dma_start3A_79 : memref<10112x32xf32, #tpu.memory_space<vmem_shared>>) offsets(%dma_start3A_76 : memref<128xi32, #tpu.memory_space<vmem>>) semaphore(%run_scoped3A_73 : memref<!tpu.dma_semaphore, #tpu.memory_space<semaphore_mem>>) {add = true}
      %dma_wait3A_80 = arith.constant 0 : i32
      %dma_wait3A_81 = tpu.memref_slice %arg8[%run_scoped3A_51, %dma_wait3A_80] : memref<80x128xi32, #tpu.memory_space<vmem>> -> memref<1x128xi32, #tpu.memory_space<vmem>>
      %dma_wait3A_82 = tpu.memref_squeeze %dma_wait3A_81 : memref<1x128xi32, #tpu.memory_space<vmem>> -> memref<128xi32, #tpu.memory_space<vmem>>
      %dma_wait3A_83 = arith.constant 0 : i32
      %dma_wait3A_84 = arith.constant 0 : i32
      %dma_wait3A_85 = tpu.memref_slice %arg13[%dma_wait3A_83, %dma_wait3A_84] : memref<10112x32xf32, #tpu.memory_space<vmem_shared>> -> memref<10112x32xf32, #tpu.memory_space<vmem_shared>>
      tpu.wait_indirect_dma semaphore(%run_scoped3A_73 : memref<!tpu.dma_semaphore, #tpu.memory_space<semaphore_mem>>) src(%arg10 : memref<128x32xf32, #tpu.memory_space<vmem>>) dst(%dma_wait3A_85 : memref<10112x32xf32, #tpu.memory_space<vmem_shared>>)
      tpu.yield
    }) : () -> ()
    %dma_wait3A_52 = arith.constant 0 : i32
    %dma_wait3A_53 = arith.constant 0 : i32
    %dma_wait3A_54 = tpu.memref_slice %arg7[%dma_wait3A_52, %dma_wait3A_53] : memref<80x128xi32, #tpu.memory_space<vmem>> -> memref<1x128xi32, #tpu.memory_space<vmem>>
    %dma_wait3A_55 = tpu.memref_squeeze %dma_wait3A_54 : memref<1x128xi32, #tpu.memory_space<vmem>> -> memref<128xi32, #tpu.memory_space<vmem>>
    %dma_wait3A_56 = arith.constant 0 : i32
    %dma_wait3A_57 = arith.constant 0 : i32
    %dma_wait3A_58 = tpu.memref_slice %arg2[%dma_wait3A_56, %dma_wait3A_57] : memref<10000x32xf32, #tpu.memory_space<hbm>> -> memref<10000x32xf32, #tpu.memory_space<hbm>>
    tpu.wait_indirect_dma semaphore(%arg16 : memref<!tpu.dma_semaphore, #tpu.memory_space<semaphore_mem>>) src(%dma_wait3A_58 : memref<10000x32xf32, #tpu.memory_space<hbm>>) dst(%arg11 : memref<128x32xf32, #tpu.memory_space<vmem>>)
    %run_scoped3A_59 = arith.constant 78 : i32
    "tpu.region"() ({
      %run_scoped3A_73 = tpu.sem_alloc : memref<!tpu.dma_semaphore, #tpu.memory_space<semaphore_mem>>
      %dma_start3A_74 = arith.constant 0 : i32
      %dma_start3A_75 = tpu.memref_slice %arg8[%run_scoped3A_59, %dma_start3A_74] : memref<80x128xi32, #tpu.memory_space<vmem>> -> memref<1x128xi32, #tpu.memory_space<vmem>>
      %dma_start3A_76 = tpu.memref_squeeze %dma_start3A_75 : memref<1x128xi32, #tpu.memory_space<vmem>> -> memref<128xi32, #tpu.memory_space<vmem>>
      %dma_start3A_77 = arith.constant 0 : i32
      %dma_start3A_78 = arith.constant 0 : i32
      %dma_start3A_79 = tpu.memref_slice %arg13[%dma_start3A_77, %dma_start3A_78] : memref<10112x32xf32, #tpu.memory_space<vmem_shared>> -> memref<10112x32xf32, #tpu.memory_space<vmem_shared>>
      tpu.enqueue_indirect_dma source(%arg11 : memref<128x32xf32, #tpu.memory_space<vmem>>) target(%dma_start3A_79 : memref<10112x32xf32, #tpu.memory_space<vmem_shared>>) offsets(%dma_start3A_76 : memref<128xi32, #tpu.memory_space<vmem>>) semaphore(%run_scoped3A_73 : memref<!tpu.dma_semaphore, #tpu.memory_space<semaphore_mem>>) {add = true}
      %dma_wait3A_80 = arith.constant 0 : i32
      %dma_wait3A_81 = tpu.memref_slice %arg8[%run_scoped3A_59, %dma_wait3A_80] : memref<80x128xi32, #tpu.memory_space<vmem>> -> memref<1x128xi32, #tpu.memory_space<vmem>>
      %dma_wait3A_82 = tpu.memref_squeeze %dma_wait3A_81 : memref<1x128xi32, #tpu.memory_space<vmem>> -> memref<128xi32, #tpu.memory_space<vmem>>
      %dma_wait3A_83 = arith.constant 0 : i32
      %dma_wait3A_84 = arith.constant 0 : i32
      %dma_wait3A_85 = tpu.memref_slice %arg13[%dma_wait3A_83, %dma_wait3A_84] : memref<10112x32xf32, #tpu.memory_space<vmem_shared>> -> memref<10112x32xf32, #tpu.memory_space<vmem_shared>>
      tpu.wait_indirect_dma semaphore(%run_scoped3A_73 : memref<!tpu.dma_semaphore, #tpu.memory_space<semaphore_mem>>) src(%arg11 : memref<128x32xf32, #tpu.memory_space<vmem>>) dst(%dma_wait3A_85 : memref<10112x32xf32, #tpu.memory_space<vmem_shared>>)
      tpu.yield
    }) : () -> ()
    %dma_wait3A_60 = arith.constant 0 : i32
    %dma_wait3A_61 = arith.constant 0 : i32
    %dma_wait3A_62 = tpu.memref_slice %arg7[%dma_wait3A_60, %dma_wait3A_61] : memref<80x128xi32, #tpu.memory_space<vmem>> -> memref<1x128xi32, #tpu.memory_space<vmem>>
    %dma_wait3A_63 = tpu.memref_squeeze %dma_wait3A_62 : memref<1x128xi32, #tpu.memory_space<vmem>> -> memref<128xi32, #tpu.memory_space<vmem>>
    %dma_wait3A_64 = arith.constant 0 : i32
    %dma_wait3A_65 = arith.constant 0 : i32
    %dma_wait3A_66 = tpu.memref_slice %arg2[%dma_wait3A_64, %dma_wait3A_65] : memref<10000x32xf32, #tpu.memory_space<hbm>> -> memref<10000x32xf32, #tpu.memory_space<hbm>>
    tpu.wait_indirect_dma semaphore(%arg17 : memref<!tpu.dma_semaphore, #tpu.memory_space<semaphore_mem>>) src(%dma_wait3A_66 : memref<10000x32xf32, #tpu.memory_space<hbm>>) dst(%arg12 : memref<128x32xf32, #tpu.memory_space<vmem>>)
    %run_scoped3A_67 = arith.constant 79 : i32
    "tpu.region"() ({
      %run_scoped3A_73 = tpu.sem_alloc : memref<!tpu.dma_semaphore, #tpu.memory_space<semaphore_mem>>
      %dma_start3A_74 = arith.constant 0 : i32
      %dma_start3A_75 = tpu.memref_slice %arg8[%run_scoped3A_67, %dma_start3A_74] : memref<80x128xi32, #tpu.memory_space<vmem>> -> memref<1x128xi32, #tpu.memory_space<vmem>>
      %dma_start3A_76 = tpu.memref_squeeze %dma_start3A_75 : memref<1x128xi32, #tpu.memory_space<vmem>> -> memref<128xi32, #tpu.memory_space<vmem>>
      %dma_start3A_77 = arith.constant 0 : i32
      %dma_start3A_78 = arith.constant 0 : i32
      %dma_start3A_79 = tpu.memref_slice %arg13[%dma_start3A_77, %dma_start3A_78] : memref<10112x32xf32, #tpu.memory_space<vmem_shared>> -> memref<10112x32xf32, #tpu.memory_space<vmem_shared>>
      tpu.enqueue_indirect_dma source(%arg12 : memref<128x32xf32, #tpu.memory_space<vmem>>) target(%dma_start3A_79 : memref<10112x32xf32, #tpu.memory_space<vmem_shared>>) offsets(%dma_start3A_76 : memref<128xi32, #tpu.memory_space<vmem>>) semaphore(%run_scoped3A_73 : memref<!tpu.dma_semaphore, #tpu.memory_space<semaphore_mem>>) {add = true}
      %dma_wait3A_80 = arith.constant 0 : i32
      %dma_wait3A_81 = tpu.memref_slice %arg8[%run_scoped3A_67, %dma_wait3A_80] : memref<80x128xi32, #tpu.memory_space<vmem>> -> memref<1x128xi32, #tpu.memory_space<vmem>>
      %dma_wait3A_82 = tpu.memref_squeeze %dma_wait3A_81 : memref<1x128xi32, #tpu.memory_space<vmem>> -> memref<128xi32, #tpu.memory_space<vmem>>
      %dma_wait3A_83 = arith.constant 0 : i32
      %dma_wait3A_84 = arith.constant 0 : i32
      %dma_wait3A_85 = tpu.memref_slice %arg13[%dma_wait3A_83, %dma_wait3A_84] : memref<10112x32xf32, #tpu.memory_space<vmem_shared>> -> memref<10112x32xf32, #tpu.memory_space<vmem_shared>>
      tpu.wait_indirect_dma semaphore(%run_scoped3A_73 : memref<!tpu.dma_semaphore, #tpu.memory_space<semaphore_mem>>) src(%arg12 : memref<128x32xf32, #tpu.memory_space<vmem>>) dst(%dma_wait3A_85 : memref<10112x32xf32, #tpu.memory_space<vmem_shared>>)
      tpu.yield
    }) : () -> ()
    %barrier3A_68 = arith.constant 0 : index
    tpu.barrier barrier_id(%barrier3A_68)
    %mul3A_69 = arith.constant 632 : i32
    %mul3A_70 = arith.muli %arg1, %mul3A_69 : i32
    %mul3A_71 = arith.constant 632 : i32
    %mul3A_72 = arith.muli %arg1, %mul3A_71 : i32
    "tpu.region"() ({
      %run_scoped3A_73 = tpu.sem_alloc : memref<!tpu.dma_semaphore, #tpu.memory_space<semaphore_mem>>
      %dma_start3A_74 = arith.constant 0 : i32
      %dma_start3A_75 = tpu.memref_slice %arg6[%arg0, %mul3A_72, %dma_start3A_74] : memref<2x10112x32xf32, #tpu.memory_space<hbm>> -> memref<1x632x32xf32, #tpu.memory_space<hbm>>
      %dma_start3A_76 = tpu.memref_squeeze %dma_start3A_75 : memref<1x632x32xf32, #tpu.memory_space<hbm>> -> memref<632x32xf32, #tpu.memory_space<hbm>>
      %dma_start3A_77 = arith.constant 0 : i32
      %dma_start3A_78 = tpu.memref_slice %arg13[%mul3A_70, %dma_start3A_77] : memref<10112x32xf32, #tpu.memory_space<vmem_shared>> -> memref<632x32xf32, #tpu.memory_space<vmem_shared>>
      tpu.enqueue_dma source(%dma_start3A_78 : memref<632x32xf32, #tpu.memory_space<vmem_shared>>) target(%dma_start3A_76 : memref<632x32xf32, #tpu.memory_space<hbm>>) target_semaphore(%run_scoped3A_73 : memref<!tpu.dma_semaphore, #tpu.memory_space<semaphore_mem>>)
      %dma_wait3A_79 = arith.constant 0 : i32
      %dma_wait3A_80 = tpu.memref_slice %arg6[%arg0, %mul3A_72, %dma_wait3A_79] : memref<2x10112x32xf32, #tpu.memory_space<hbm>> -> memref<1x632x32xf32, #tpu.memory_space<hbm>>
      %dma_wait3A_81 = tpu.memref_squeeze %dma_wait3A_80 : memref<1x632x32xf32, #tpu.memory_space<hbm>> -> memref<632x32xf32, #tpu.memory_space<hbm>>
      %dma_wait3A_82 = arith.constant 0 : i32
      %dma_wait3A_83 = tpu.memref_slice %arg13[%mul3A_70, %dma_wait3A_82] : memref<10112x32xf32, #tpu.memory_space<vmem_shared>> -> memref<632x32xf32, #tpu.memory_space<vmem_shared>>
      tpu.wait_dma2 semaphore(%run_scoped3A_73 : memref<!tpu.dma_semaphore, #tpu.memory_space<semaphore_mem>>) src(%dma_wait3A_83 : memref<632x32xf32, #tpu.memory_space<vmem_shared>>) dst(%dma_wait3A_81 : memref<632x32xf32, #tpu.memory_space<hbm>>)
      tpu.yield
    }) : () -> ()
    return
  }
}

#map = affine_map<(d0, d1) -> (0, 0)>
#map1 = affine_map<(d0, d1) -> (0, 0, 0)>
module attributes {stable_mosaic.version = 14 : i64} {
  func.func @_sc_scatter(%arg0: i32, %arg1: i32, %arg2: memref<10000x32xf32, #tpu.memory_space<hbm>>, %arg3: memref<32x80x128xi32, #tpu.memory_space<hbm>>, %arg4: memref<32x80x128xi32, #tpu.memory_space<hbm>>, %arg5: memref<10112x32xf32, #tpu.memory_space<hbm>>, %arg6: memref<2x10112x32xf32, #tpu.memory_space<hbm>>, %arg7: memref<80x128xi32, #tpu.memory_space<vmem>>, %arg8: memref<80x128xi32, #tpu.memory_space<vmem>>, %arg9: memref<128x32xf32, #tpu.memory_space<vmem>>, %arg10: memref<128x32xf32, #tpu.memory_space<vmem>>, %arg11: memref<128x32xf32, #tpu.memory_space<vmem>>, %arg12: memref<128x32xf32, #tpu.memory_space<vmem>>, %arg13: memref<10112x32xf32, #tpu.memory_space<vmem_shared>>, %arg14: memref<!tpu.dma_semaphore, #tpu.memory_space<semaphore_mem>>, %arg15: memref<!tpu.dma_semaphore, #tpu.memory_space<semaphore_mem>>, %arg16: memref<!tpu.dma_semaphore, #tpu.memory_space<semaphore_mem>>, %arg17: memref<!tpu.dma_semaphore, #tpu.memory_space<semaphore_mem>>) attributes {dimension_semantics = [#tpu.dimension_semantics<core_parallel>, #tpu.dimension_semantics<subcore_parallel>], iteration_bounds = array<i64: 2, 16>, scalar_prefetch = 0 : i64, scratch_operands = 11 : i64, tpu.core_type = #tpu.core_type<sc_vector_subcore>, window_params = [{transform_indices = #map}, {transform_indices = #map1}, {transform_indices = #map1}, {transform_indices = #map}, {transform_indices = #map1}]} {
    %mul3A = arith.constant 2 : i32
    %mul3A_0 = arith.muli %arg1, %mul3A : i32
    %add3A = arith.addi %mul3A_0, %arg0 : i32
    %mul3A_1 = arith.constant 632 : i32
    %mul3A_2 = arith.muli %arg1, %mul3A_1 : i32
    %mul3A_3 = arith.constant 632 : i32
    %mul3A_4 = arith.muli %arg1, %mul3A_3 : i32
    "tpu.region"() ({
      %run_scoped3A_73 = tpu.sem_alloc : memref<!tpu.dma_semaphore, #tpu.memory_space<semaphore_mem>>
      %dma_start3A_74 = arith.constant 0 : i32
      %dma_start3A_75 = tpu.memref_slice %arg13[%mul3A_4, %dma_start3A_74] : memref<10112x32xf32, #tpu.memory_space<vmem_shared>> -> memref<632x32xf32, #tpu.memory_space<vmem_shared>>
      %dma_start3A_76 = arith.constant 0 : i32
      %dma_start3A_77 = tpu.memref_slice %arg5[%mul3A_2, %dma_start3A_76] : memref<10112x32xf32, #tpu.memory_space<hbm>> -> memref<632x32xf32, #tpu.memory_space<hbm>>
      tpu.enqueue_dma source(%dma_start3A_77 : memref<632x32xf32, #tpu.memory_space<hbm>>) target(%dma_start3A_75 : memref<632x32xf32, #tpu.memory_space<vmem_shared>>) target_semaphore(%run_scoped3A_73 : memref<!tpu.dma_semaphore, #tpu.memory_space<semaphore_mem>>)
      %dma_wait3A_78 = arith.constant 0 : i32
      %dma_wait3A_79 = tpu.memref_slice %arg13[%mul3A_4, %dma_wait3A_78] : memref<10112x32xf32, #tpu.memory_space<vmem_shared>> -> memref<632x32xf32, #tpu.memory_space<vmem_shared>>
      %dma_wait3A_80 = arith.constant 0 : i32
      %dma_wait3A_81 = tpu.memref_slice %arg5[%mul3A_2, %dma_wait3A_80] : memref<10112x32xf32, #tpu.memory_space<hbm>> -> memref<632x32xf32, #tpu.memory_space<hbm>>
      tpu.wait_dma2 semaphore(%run_scoped3A_73 : memref<!tpu.dma_semaphore, #tpu.memory_space<semaphore_mem>>) src(%dma_wait3A_81 : memref<632x32xf32, #tpu.memory_space<hbm>>) dst(%dma_wait3A_79 : memref<632x32xf32, #tpu.memory_space<vmem_shared>>)
      tpu.yield
    }) : () -> ()
    "tpu.region"() ({
      %run_scoped3A_73 = tpu.sem_alloc : memref<!tpu.dma_semaphore, #tpu.memory_space<semaphore_mem>>
      %dma_start3A_74 = arith.constant 0 : i32
      %dma_start3A_75 = arith.constant 0 : i32
      %dma_start3A_76 = tpu.memref_slice %arg3[%add3A, %dma_start3A_74, %dma_start3A_75] : memref<32x80x128xi32, #tpu.memory_space<hbm>> -> memref<1x80x128xi32, #tpu.memory_space<hbm>>
      %dma_start3A_77 = tpu.memref_squeeze %dma_start3A_76 : memref<1x80x128xi32, #tpu.memory_space<hbm>> -> memref<80x128xi32, #tpu.memory_space<hbm>>
      %dma_start3A_78 = arith.constant 0 : i32
      %dma_start3A_79 = arith.constant 0 : i32
      %dma_start3A_80 = tpu.memref_slice %arg3[%add3A, %dma_start3A_78, %dma_start3A_79] : memref<32x80x128xi32, #tpu.memory_space<hbm>> -> memref<1x80x128xi32, #tpu.memory_space<hbm>>
      %dma_start3A_81 = tpu.memref_squeeze %dma_start3A_80 : memref<1x80x128xi32, #tpu.memory_space<hbm>> -> memref<80x128xi32, #tpu.memory_space<hbm>>
      tpu.enqueue_dma source(%dma_start3A_81 : memref<80x128xi32, #tpu.memory_space<hbm>>) target(%arg7 : memref<80x128xi32, #tpu.memory_space<vmem>>) target_semaphore(%run_scoped3A_73 : memref<!tpu.dma_semaphore, #tpu.memory_space<semaphore_mem>>)
      %dma_wait3A_82 = arith.constant 0 : i32
      %dma_wait3A_83 = arith.constant 0 : i32
      %dma_wait3A_84 = tpu.memref_slice %arg3[%add3A, %dma_wait3A_82, %dma_wait3A_83] : memref<32x80x128xi32, #tpu.memory_space<hbm>> -> memref<1x80x128xi32, #tpu.memory_space<hbm>>
      %dma_wait3A_85 = tpu.memref_squeeze %dma_wait3A_84 : memref<1x80x128xi32, #tpu.memory_space<hbm>> -> memref<80x128xi32, #tpu.memory_space<hbm>>
      %dma_wait3A_86 = arith.constant 0 : i32
      %dma_wait3A_87 = arith.constant 0 : i32
      %dma_wait3A_88 = tpu.memref_slice %arg3[%add3A, %dma_wait3A_86, %dma_wait3A_87] : memref<32x80x128xi32, #tpu.memory_space<hbm>> -> memref<1x80x128xi32, #tpu.memory_space<hbm>>
      %dma_wait3A_89 = tpu.memref_squeeze %dma_wait3A_88 : memref<1x80x128xi32, #tpu.memory_space<hbm>> -> memref<80x128xi32, #tpu.memory_space<hbm>>
      tpu.wait_dma2 semaphore(%run_scoped3A_73 : memref<!tpu.dma_semaphore, #tpu.memory_space<semaphore_mem>>) src(%dma_wait3A_89 : memref<80x128xi32, #tpu.memory_space<hbm>>) dst(%arg7 : memref<80x128xi32, #tpu.memory_space<vmem>>)
      tpu.yield
    }) : () -> ()
    "tpu.region"() ({
      %run_scoped3A_73 = tpu.sem_alloc : memref<!tpu.dma_semaphore, #tpu.memory_space<semaphore_mem>>
      %dma_start3A_74 = arith.constant 0 : i32
      %dma_start3A_75 = arith.constant 0 : i32
      %dma_start3A_76 = tpu.memref_slice %arg4[%add3A, %dma_start3A_74, %dma_start3A_75] : memref<32x80x128xi32, #tpu.memory_space<hbm>> -> memref<1x80x128xi32, #tpu.memory_space<hbm>>
      %dma_start3A_77 = tpu.memref_squeeze %dma_start3A_76 : memref<1x80x128xi32, #tpu.memory_space<hbm>> -> memref<80x128xi32, #tpu.memory_space<hbm>>
      %dma_start3A_78 = arith.constant 0 : i32
      %dma_start3A_79 = arith.constant 0 : i32
      %dma_start3A_80 = tpu.memref_slice %arg4[%add3A, %dma_start3A_78, %dma_start3A_79] : memref<32x80x128xi32, #tpu.memory_space<hbm>> -> memref<1x80x128xi32, #tpu.memory_space<hbm>>
      %dma_start3A_81 = tpu.memref_squeeze %dma_start3A_80 : memref<1x80x128xi32, #tpu.memory_space<hbm>> -> memref<80x128xi32, #tpu.memory_space<hbm>>
      tpu.enqueue_dma source(%dma_start3A_81 : memref<80x128xi32, #tpu.memory_space<hbm>>) target(%arg8 : memref<80x128xi32, #tpu.memory_space<vmem>>) target_semaphore(%run_scoped3A_73 : memref<!tpu.dma_semaphore, #tpu.memory_space<semaphore_mem>>)
      %dma_wait3A_82 = arith.constant 0 : i32
      %dma_wait3A_83 = arith.constant 0 : i32
      %dma_wait3A_84 = tpu.memref_slice %arg4[%add3A, %dma_wait3A_82, %dma_wait3A_83] : memref<32x80x128xi32, #tpu.memory_space<hbm>> -> memref<1x80x128xi32, #tpu.memory_space<hbm>>
      %dma_wait3A_85 = tpu.memref_squeeze %dma_wait3A_84 : memref<1x80x128xi32, #tpu.memory_space<hbm>> -> memref<80x128xi32, #tpu.memory_space<hbm>>
      %dma_wait3A_86 = arith.constant 0 : i32
      %dma_wait3A_87 = arith.constant 0 : i32
      %dma_wait3A_88 = tpu.memref_slice %arg4[%add3A, %dma_wait3A_86, %dma_wait3A_87] : memref<32x80x128xi32, #tpu.memory_space<hbm>> -> memref<1x80x128xi32, #tpu.memory_space<hbm>>
      %dma_wait3A_89 = tpu.memref_squeeze %dma_wait3A_88 : memref<1x80x128xi32, #tpu.memory_space<hbm>> -> memref<80x128xi32, #tpu.memory_space<hbm>>
      tpu.wait_dma2 semaphore(%run_scoped3A_73 : memref<!tpu.dma_semaphore, #tpu.memory_space<semaphore_mem>>) src(%dma_wait3A_89 : memref<80x128xi32, #tpu.memory_space<hbm>>) dst(%arg8 : memref<80x128xi32, #tpu.memory_space<vmem>>)
      tpu.yield
    }) : () -> ()
    %barrier3A = arith.constant 0 : index
    tpu.barrier barrier_id(%barrier3A)
    %dma_start3A = arith.constant 0 : i32
    %dma_start3A_5 = arith.constant 0 : i32
    %dma_start3A_6 = tpu.memref_slice %arg7[%dma_start3A, %dma_start3A_5] : memref<80x128xi32, #tpu.memory_space<vmem>> -> memref<1x128xi32, #tpu.memory_space<vmem>>
    %dma_start3A_7 = tpu.memref_squeeze %dma_start3A_6 : memref<1x128xi32, #tpu.memory_space<vmem>> -> memref<128xi32, #tpu.memory_space<vmem>>
    %dma_start3A_8 = arith.constant 0 : i32
    %dma_start3A_9 = arith.constant 0 : i32
    %dma_start3A_10 = tpu.memref_slice %arg2[%dma_start3A_8, %dma_start3A_9] : memref<10000x32xf32, #tpu.memory_space<hbm>> -> memref<10000x32xf32, #tpu.memory_space<hbm>>
    tpu.enqueue_indirect_dma source(%dma_start3A_10 : memref<10000x32xf32, #tpu.memory_space<hbm>>) target(%arg9 : memref<128x32xf32, #tpu.memory_space<vmem>>) offsets(%dma_start3A_7 : memref<128xi32, #tpu.memory_space<vmem>>) semaphore(%arg14 : memref<!tpu.dma_semaphore, #tpu.memory_space<semaphore_mem>>)
    %dma_start3A_11 = arith.constant 1 : i32
    %dma_start3A_12 = arith.constant 0 : i32
    %dma_start3A_13 = tpu.memref_slice %arg7[%dma_start3A_11, %dma_start3A_12] : memref<80x128xi32, #tpu.memory_space<vmem>> -> memref<1x128xi32, #tpu.memory_space<vmem>>
    %dma_start3A_14 = tpu.memref_squeeze %dma_start3A_13 : memref<1x128xi32, #tpu.memory_space<vmem>> -> memref<128xi32, #tpu.memory_space<vmem>>
    %dma_start3A_15 = arith.constant 0 : i32
    %dma_start3A_16 = arith.constant 0 : i32
    %dma_start3A_17 = tpu.memref_slice %arg2[%dma_start3A_15, %dma_start3A_16] : memref<10000x32xf32, #tpu.memory_space<hbm>> -> memref<10000x32xf32, #tpu.memory_space<hbm>>
    tpu.enqueue_indirect_dma source(%dma_start3A_17 : memref<10000x32xf32, #tpu.memory_space<hbm>>) target(%arg10 : memref<128x32xf32, #tpu.memory_space<vmem>>) offsets(%dma_start3A_14 : memref<128xi32, #tpu.memory_space<vmem>>) semaphore(%arg15 : memref<!tpu.dma_semaphore, #tpu.memory_space<semaphore_mem>>)
    %dma_start3A_18 = arith.constant 2 : i32
    %dma_start3A_19 = arith.constant 0 : i32
    %dma_start3A_20 = tpu.memref_slice %arg7[%dma_start3A_18, %dma_start3A_19] : memref<80x128xi32, #tpu.memory_space<vmem>> -> memref<1x128xi32, #tpu.memory_space<vmem>>
    %dma_start3A_21 = tpu.memref_squeeze %dma_start3A_20 : memref<1x128xi32, #tpu.memory_space<vmem>> -> memref<128xi32, #tpu.memory_space<vmem>>
    %dma_start3A_22 = arith.constant 0 : i32
    %dma_start3A_23 = arith.constant 0 : i32
    %dma_start3A_24 = tpu.memref_slice %arg2[%dma_start3A_22, %dma_start3A_23] : memref<10000x32xf32, #tpu.memory_space<hbm>> -> memref<10000x32xf32, #tpu.memory_space<hbm>>
    tpu.enqueue_indirect_dma source(%dma_start3A_24 : memref<10000x32xf32, #tpu.memory_space<hbm>>) target(%arg11 : memref<128x32xf32, #tpu.memory_space<vmem>>) offsets(%dma_start3A_21 : memref<128xi32, #tpu.memory_space<vmem>>) semaphore(%arg16 : memref<!tpu.dma_semaphore, #tpu.memory_space<semaphore_mem>>)
    %dma_start3A_25 = arith.constant 3 : i32
    %dma_start3A_26 = arith.constant 0 : i32
    %dma_start3A_27 = tpu.memref_slice %arg7[%dma_start3A_25, %dma_start3A_26] : memref<80x128xi32, #tpu.memory_space<vmem>> -> memref<1x128xi32, #tpu.memory_space<vmem>>
    %dma_start3A_28 = tpu.memref_squeeze %dma_start3A_27 : memref<1x128xi32, #tpu.memory_space<vmem>> -> memref<128xi32, #tpu.memory_space<vmem>>
    %dma_start3A_29 = arith.constant 0 : i32
    %dma_start3A_30 = arith.constant 0 : i32
    %dma_start3A_31 = tpu.memref_slice %arg2[%dma_start3A_29, %dma_start3A_30] : memref<10000x32xf32, #tpu.memory_space<hbm>> -> memref<10000x32xf32, #tpu.memory_space<hbm>>
    tpu.enqueue_indirect_dma source(%dma_start3A_31 : memref<10000x32xf32, #tpu.memory_space<hbm>>) target(%arg12 : memref<128x32xf32, #tpu.memory_space<vmem>>) offsets(%dma_start3A_28 : memref<128xi32, #tpu.memory_space<vmem>>) semaphore(%arg17 : memref<!tpu.dma_semaphore, #tpu.memory_space<semaphore_mem>>)
    %scan3A = arith.constant 0 : i32
    %scan3A_32 = arith.constant 0 : i32
    %scan3A_33 = arith.constant 19 : i32
    %scan3A_34 = arith.addi %scan3A_32, %scan3A_33 : i32
    %scan3A_35 = arith.constant 1 : i32
    %scan3A_36 = scf.for %scan3A_73 = %scan3A_32 to %scan3A_34 step %scan3A_35 iter_args(%scan3A_74 = %scan3A) -> (i32)  : i32 {
      %mul3A_75 = arith.constant 4 : i32
      %mul3A_76 = arith.muli %scan3A_73, %mul3A_75 : i32
      %dma_wait3A_77 = arith.constant 0 : i32
      %dma_wait3A_78 = arith.constant 0 : i32
      %dma_wait3A_79 = tpu.memref_slice %arg7[%dma_wait3A_77, %dma_wait3A_78] : memref<80x128xi32, #tpu.memory_space<vmem>> -> memref<1x128xi32, #tpu.memory_space<vmem>>
      %dma_wait3A_80 = tpu.memref_squeeze %dma_wait3A_79 : memref<1x128xi32, #tpu.memory_space<vmem>> -> memref<128xi32, #tpu.memory_space<vmem>>
      %dma_wait3A_81 = arith.constant 0 : i32
      %dma_wait3A_82 = arith.constant 0 : i32
      %dma_wait3A_83 = tpu.memref_slice %arg2[%dma_wait3A_81, %dma_wait3A_82] : memref<10000x32xf32, #tpu.memory_space<hbm>> -> memref<10000x32xf32, #tpu.memory_space<hbm>>
      tpu.wait_indirect_dma semaphore(%arg14 : memref<!tpu.dma_semaphore, #tpu.memory_space<semaphore_mem>>) src(%dma_wait3A_83 : memref<10000x32xf32, #tpu.memory_space<hbm>>) dst(%arg9 : memref<128x32xf32, #tpu.memory_space<vmem>>)
      %add3A_84 = arith.constant 0 : i32
      %add3A_85 = arith.addi %mul3A_76, %add3A_84 : i32
      "tpu.region"() ({
        %run_scoped3A_154 = tpu.sem_alloc : memref<!tpu.dma_semaphore, #tpu.memory_space<semaphore_mem>>
        %dma_start3A_155 = arith.constant 0 : i32
        %dma_start3A_156 = tpu.memref_slice %arg8[%add3A_85, %dma_start3A_155] : memref<80x128xi32, #tpu.memory_space<vmem>> -> memref<1x128xi32, #tpu.memory_space<vmem>>
        %dma_start3A_157 = tpu.memref_squeeze %dma_start3A_156 : memref<1x128xi32, #tpu.memory_space<vmem>> -> memref<128xi32, #tpu.memory_space<vmem>>
        %dma_start3A_158 = arith.constant 0 : i32
        %dma_start3A_159 = arith.constant 0 : i32
        %dma_start3A_160 = tpu.memref_slice %arg13[%dma_start3A_158, %dma_start3A_159] : memref<10112x32xf32, #tpu.memory_space<vmem_shared>> -> memref<10112x32xf32, #tpu.memory_space<vmem_shared>>
        tpu.enqueue_indirect_dma source(%arg9 : memref<128x32xf32, #tpu.memory_space<vmem>>) target(%dma_start3A_160 : memref<10112x32xf32, #tpu.memory_space<vmem_shared>>) offsets(%dma_start3A_157 : memref<128xi32, #tpu.memory_space<vmem>>) semaphore(%run_scoped3A_154 : memref<!tpu.dma_semaphore, #tpu.memory_space<semaphore_mem>>) {add = true}
        %dma_wait3A_161 = arith.constant 0 : i32
        %dma_wait3A_162 = tpu.memref_slice %arg8[%add3A_85, %dma_wait3A_161] : memref<80x128xi32, #tpu.memory_space<vmem>> -> memref<1x128xi32, #tpu.memory_space<vmem>>
        %dma_wait3A_163 = tpu.memref_squeeze %dma_wait3A_162 : memref<1x128xi32, #tpu.memory_space<vmem>> -> memref<128xi32, #tpu.memory_space<vmem>>
        %dma_wait3A_164 = arith.constant 0 : i32
        %dma_wait3A_165 = arith.constant 0 : i32
        %dma_wait3A_166 = tpu.memref_slice %arg13[%dma_wait3A_164, %dma_wait3A_165] : memref<10112x32xf32, #tpu.memory_space<vmem_shared>> -> memref<10112x32xf32, #tpu.memory_space<vmem_shared>>
        tpu.wait_indirect_dma semaphore(%run_scoped3A_154 : memref<!tpu.dma_semaphore, #tpu.memory_space<semaphore_mem>>) src(%arg9 : memref<128x32xf32, #tpu.memory_space<vmem>>) dst(%dma_wait3A_166 : memref<10112x32xf32, #tpu.memory_space<vmem_shared>>)
        tpu.yield
      }) : () -> ()
      %add3A_86 = arith.constant 0 : i32
      %add3A_87 = arith.addi %mul3A_76, %add3A_86 : i32
      %add3A_88 = arith.constant 4 : i32
      %add3A_89 = arith.addi %add3A_87, %add3A_88 : i32
      %dma_start3A_90 = arith.constant 0 : i32
      %dma_start3A_91 = tpu.memref_slice %arg7[%add3A_89, %dma_start3A_90] : memref<80x128xi32, #tpu.memory_space<vmem>> -> memref<1x128xi32, #tpu.memory_space<vmem>>
      %dma_start3A_92 = tpu.memref_squeeze %dma_start3A_91 : memref<1x128xi32, #tpu.memory_space<vmem>> -> memref<128xi32, #tpu.memory_space<vmem>>
      %dma_start3A_93 = arith.constant 0 : i32
      %dma_start3A_94 = arith.constant 0 : i32
      %dma_start3A_95 = tpu.memref_slice %arg2[%dma_start3A_93, %dma_start3A_94] : memref<10000x32xf32, #tpu.memory_space<hbm>> -> memref<10000x32xf32, #tpu.memory_space<hbm>>
      tpu.enqueue_indirect_dma source(%dma_start3A_95 : memref<10000x32xf32, #tpu.memory_space<hbm>>) target(%arg9 : memref<128x32xf32, #tpu.memory_space<vmem>>) offsets(%dma_start3A_92 : memref<128xi32, #tpu.memory_space<vmem>>) semaphore(%arg14 : memref<!tpu.dma_semaphore, #tpu.memory_space<semaphore_mem>>)
      %dma_wait3A_96 = arith.constant 0 : i32
      %dma_wait3A_97 = arith.constant 0 : i32
      %dma_wait3A_98 = tpu.memref_slice %arg7[%dma_wait3A_96, %dma_wait3A_97] : memref<80x128xi32, #tpu.memory_space<vmem>> -> memref<1x128xi32, #tpu.memory_space<vmem>>
      %dma_wait3A_99 = tpu.memref_squeeze %dma_wait3A_98 : memref<1x128xi32, #tpu.memory_space<vmem>> -> memref<128xi32, #tpu.memory_space<vmem>>
      %dma_wait3A_100 = arith.constant 0 : i32
      %dma_wait3A_101 = arith.constant 0 : i32
      %dma_wait3A_102 = tpu.memref_slice %arg2[%dma_wait3A_100, %dma_wait3A_101] : memref<10000x32xf32, #tpu.memory_space<hbm>> -> memref<10000x32xf32, #tpu.memory_space<hbm>>
      tpu.wait_indirect_dma semaphore(%arg15 : memref<!tpu.dma_semaphore, #tpu.memory_space<semaphore_mem>>) src(%dma_wait3A_102 : memref<10000x32xf32, #tpu.memory_space<hbm>>) dst(%arg10 : memref<128x32xf32, #tpu.memory_space<vmem>>)
      %add3A_103 = arith.constant 1 : i32
      %add3A_104 = arith.addi %mul3A_76, %add3A_103 : i32
      "tpu.region"() ({
        %run_scoped3A_154 = tpu.sem_alloc : memref<!tpu.dma_semaphore, #tpu.memory_space<semaphore_mem>>
        %dma_start3A_155 = arith.constant 0 : i32
        %dma_start3A_156 = tpu.memref_slice %arg8[%add3A_104, %dma_start3A_155] : memref<80x128xi32, #tpu.memory_space<vmem>> -> memref<1x128xi32, #tpu.memory_space<vmem>>
        %dma_start3A_157 = tpu.memref_squeeze %dma_start3A_156 : memref<1x128xi32, #tpu.memory_space<vmem>> -> memref<128xi32, #tpu.memory_space<vmem>>
        %dma_start3A_158 = arith.constant 0 : i32
        %dma_start3A_159 = arith.constant 0 : i32
        %dma_start3A_160 = tpu.memref_slice %arg13[%dma_start3A_158, %dma_start3A_159] : memref<10112x32xf32, #tpu.memory_space<vmem_shared>> -> memref<10112x32xf32, #tpu.memory_space<vmem_shared>>
        tpu.enqueue_indirect_dma source(%arg10 : memref<128x32xf32, #tpu.memory_space<vmem>>) target(%dma_start3A_160 : memref<10112x32xf32, #tpu.memory_space<vmem_shared>>) offsets(%dma_start3A_157 : memref<128xi32, #tpu.memory_space<vmem>>) semaphore(%run_scoped3A_154 : memref<!tpu.dma_semaphore, #tpu.memory_space<semaphore_mem>>) {add = true}
        %dma_wait3A_161 = arith.constant 0 : i32
        %dma_wait3A_162 = tpu.memref_slice %arg8[%add3A_104, %dma_wait3A_161] : memref<80x128xi32, #tpu.memory_space<vmem>> -> memref<1x128xi32, #tpu.memory_space<vmem>>
        %dma_wait3A_163 = tpu.memref_squeeze %dma_wait3A_162 : memref<1x128xi32, #tpu.memory_space<vmem>> -> memref<128xi32, #tpu.memory_space<vmem>>
        %dma_wait3A_164 = arith.constant 0 : i32
        %dma_wait3A_165 = arith.constant 0 : i32
        %dma_wait3A_166 = tpu.memref_slice %arg13[%dma_wait3A_164, %dma_wait3A_165] : memref<10112x32xf32, #tpu.memory_space<vmem_shared>> -> memref<10112x32xf32, #tpu.memory_space<vmem_shared>>
        tpu.wait_indirect_dma semaphore(%run_scoped3A_154 : memref<!tpu.dma_semaphore, #tpu.memory_space<semaphore_mem>>) src(%arg10 : memref<128x32xf32, #tpu.memory_space<vmem>>) dst(%dma_wait3A_166 : memref<10112x32xf32, #tpu.memory_space<vmem_shared>>)
        tpu.yield
      }) : () -> ()
      %add3A_105 = arith.constant 1 : i32
      %add3A_106 = arith.addi %mul3A_76, %add3A_105 : i32
      %add3A_107 = arith.constant 4 : i32
      %add3A_108 = arith.addi %add3A_106, %add3A_107 : i32
      %dma_start3A_109 = arith.constant 0 : i32
      %dma_start3A_110 = tpu.memref_slice %arg7[%add3A_108, %dma_start3A_109] : memref<80x128xi32, #tpu.memory_space<vmem>> -> memref<1x128xi32, #tpu.memory_space<vmem>>
      %dma_start3A_111 = tpu.memref_squeeze %dma_start3A_110 : memref<1x128xi32, #tpu.memory_space<vmem>> -> memref<128xi32, #tpu.memory_space<vmem>>
      %dma_start3A_112 = arith.constant 0 : i32
      %dma_start3A_113 = arith.constant 0 : i32
      %dma_start3A_114 = tpu.memref_slice %arg2[%dma_start3A_112, %dma_start3A_113] : memref<10000x32xf32, #tpu.memory_space<hbm>> -> memref<10000x32xf32, #tpu.memory_space<hbm>>
      tpu.enqueue_indirect_dma source(%dma_start3A_114 : memref<10000x32xf32, #tpu.memory_space<hbm>>) target(%arg10 : memref<128x32xf32, #tpu.memory_space<vmem>>) offsets(%dma_start3A_111 : memref<128xi32, #tpu.memory_space<vmem>>) semaphore(%arg15 : memref<!tpu.dma_semaphore, #tpu.memory_space<semaphore_mem>>)
      %dma_wait3A_115 = arith.constant 0 : i32
      %dma_wait3A_116 = arith.constant 0 : i32
      %dma_wait3A_117 = tpu.memref_slice %arg7[%dma_wait3A_115, %dma_wait3A_116] : memref<80x128xi32, #tpu.memory_space<vmem>> -> memref<1x128xi32, #tpu.memory_space<vmem>>
      %dma_wait3A_118 = tpu.memref_squeeze %dma_wait3A_117 : memref<1x128xi32, #tpu.memory_space<vmem>> -> memref<128xi32, #tpu.memory_space<vmem>>
      %dma_wait3A_119 = arith.constant 0 : i32
      %dma_wait3A_120 = arith.constant 0 : i32
      %dma_wait3A_121 = tpu.memref_slice %arg2[%dma_wait3A_119, %dma_wait3A_120] : memref<10000x32xf32, #tpu.memory_space<hbm>> -> memref<10000x32xf32, #tpu.memory_space<hbm>>
      tpu.wait_indirect_dma semaphore(%arg16 : memref<!tpu.dma_semaphore, #tpu.memory_space<semaphore_mem>>) src(%dma_wait3A_121 : memref<10000x32xf32, #tpu.memory_space<hbm>>) dst(%arg11 : memref<128x32xf32, #tpu.memory_space<vmem>>)
      %add3A_122 = arith.constant 2 : i32
      %add3A_123 = arith.addi %mul3A_76, %add3A_122 : i32
      "tpu.region"() ({
        %run_scoped3A_154 = tpu.sem_alloc : memref<!tpu.dma_semaphore, #tpu.memory_space<semaphore_mem>>
        %dma_start3A_155 = arith.constant 0 : i32
        %dma_start3A_156 = tpu.memref_slice %arg8[%add3A_123, %dma_start3A_155] : memref<80x128xi32, #tpu.memory_space<vmem>> -> memref<1x128xi32, #tpu.memory_space<vmem>>
        %dma_start3A_157 = tpu.memref_squeeze %dma_start3A_156 : memref<1x128xi32, #tpu.memory_space<vmem>> -> memref<128xi32, #tpu.memory_space<vmem>>
        %dma_start3A_158 = arith.constant 0 : i32
        %dma_start3A_159 = arith.constant 0 : i32
        %dma_start3A_160 = tpu.memref_slice %arg13[%dma_start3A_158, %dma_start3A_159] : memref<10112x32xf32, #tpu.memory_space<vmem_shared>> -> memref<10112x32xf32, #tpu.memory_space<vmem_shared>>
        tpu.enqueue_indirect_dma source(%arg11 : memref<128x32xf32, #tpu.memory_space<vmem>>) target(%dma_start3A_160 : memref<10112x32xf32, #tpu.memory_space<vmem_shared>>) offsets(%dma_start3A_157 : memref<128xi32, #tpu.memory_space<vmem>>) semaphore(%run_scoped3A_154 : memref<!tpu.dma_semaphore, #tpu.memory_space<semaphore_mem>>) {add = true}
        %dma_wait3A_161 = arith.constant 0 : i32
        %dma_wait3A_162 = tpu.memref_slice %arg8[%add3A_123, %dma_wait3A_161] : memref<80x128xi32, #tpu.memory_space<vmem>> -> memref<1x128xi32, #tpu.memory_space<vmem>>
        %dma_wait3A_163 = tpu.memref_squeeze %dma_wait3A_162 : memref<1x128xi32, #tpu.memory_space<vmem>> -> memref<128xi32, #tpu.memory_space<vmem>>
        %dma_wait3A_164 = arith.constant 0 : i32
        %dma_wait3A_165 = arith.constant 0 : i32
        %dma_wait3A_166 = tpu.memref_slice %arg13[%dma_wait3A_164, %dma_wait3A_165] : memref<10112x32xf32, #tpu.memory_space<vmem_shared>> -> memref<10112x32xf32, #tpu.memory_space<vmem_shared>>
        tpu.wait_indirect_dma semaphore(%run_scoped3A_154 : memref<!tpu.dma_semaphore, #tpu.memory_space<semaphore_mem>>) src(%arg11 : memref<128x32xf32, #tpu.memory_space<vmem>>) dst(%dma_wait3A_166 : memref<10112x32xf32, #tpu.memory_space<vmem_shared>>)
        tpu.yield
      }) : () -> ()
      %add3A_124 = arith.constant 2 : i32
      %add3A_125 = arith.addi %mul3A_76, %add3A_124 : i32
      %add3A_126 = arith.constant 4 : i32
      %add3A_127 = arith.addi %add3A_125, %add3A_126 : i32
      %dma_start3A_128 = arith.constant 0 : i32
      %dma_start3A_129 = tpu.memref_slice %arg7[%add3A_127, %dma_start3A_128] : memref<80x128xi32, #tpu.memory_space<vmem>> -> memref<1x128xi32, #tpu.memory_space<vmem>>
      %dma_start3A_130 = tpu.memref_squeeze %dma_start3A_129 : memref<1x128xi32, #tpu.memory_space<vmem>> -> memref<128xi32, #tpu.memory_space<vmem>>
      %dma_start3A_131 = arith.constant 0 : i32
      %dma_start3A_132 = arith.constant 0 : i32
      %dma_start3A_133 = tpu.memref_slice %arg2[%dma_start3A_131, %dma_start3A_132] : memref<10000x32xf32, #tpu.memory_space<hbm>> -> memref<10000x32xf32, #tpu.memory_space<hbm>>
      tpu.enqueue_indirect_dma source(%dma_start3A_133 : memref<10000x32xf32, #tpu.memory_space<hbm>>) target(%arg11 : memref<128x32xf32, #tpu.memory_space<vmem>>) offsets(%dma_start3A_130 : memref<128xi32, #tpu.memory_space<vmem>>) semaphore(%arg16 : memref<!tpu.dma_semaphore, #tpu.memory_space<semaphore_mem>>)
      %dma_wait3A_134 = arith.constant 0 : i32
      %dma_wait3A_135 = arith.constant 0 : i32
      %dma_wait3A_136 = tpu.memref_slice %arg7[%dma_wait3A_134, %dma_wait3A_135] : memref<80x128xi32, #tpu.memory_space<vmem>> -> memref<1x128xi32, #tpu.memory_space<vmem>>
      %dma_wait3A_137 = tpu.memref_squeeze %dma_wait3A_136 : memref<1x128xi32, #tpu.memory_space<vmem>> -> memref<128xi32, #tpu.memory_space<vmem>>
      %dma_wait3A_138 = arith.constant 0 : i32
      %dma_wait3A_139 = arith.constant 0 : i32
      %dma_wait3A_140 = tpu.memref_slice %arg2[%dma_wait3A_138, %dma_wait3A_139] : memref<10000x32xf32, #tpu.memory_space<hbm>> -> memref<10000x32xf32, #tpu.memory_space<hbm>>
      tpu.wait_indirect_dma semaphore(%arg17 : memref<!tpu.dma_semaphore, #tpu.memory_space<semaphore_mem>>) src(%dma_wait3A_140 : memref<10000x32xf32, #tpu.memory_space<hbm>>) dst(%arg12 : memref<128x32xf32, #tpu.memory_space<vmem>>)
      %add3A_141 = arith.constant 3 : i32
      %add3A_142 = arith.addi %mul3A_76, %add3A_141 : i32
      "tpu.region"() ({
        %run_scoped3A_154 = tpu.sem_alloc : memref<!tpu.dma_semaphore, #tpu.memory_space<semaphore_mem>>
        %dma_start3A_155 = arith.constant 0 : i32
        %dma_start3A_156 = tpu.memref_slice %arg8[%add3A_142, %dma_start3A_155] : memref<80x128xi32, #tpu.memory_space<vmem>> -> memref<1x128xi32, #tpu.memory_space<vmem>>
        %dma_start3A_157 = tpu.memref_squeeze %dma_start3A_156 : memref<1x128xi32, #tpu.memory_space<vmem>> -> memref<128xi32, #tpu.memory_space<vmem>>
        %dma_start3A_158 = arith.constant 0 : i32
        %dma_start3A_159 = arith.constant 0 : i32
        %dma_start3A_160 = tpu.memref_slice %arg13[%dma_start3A_158, %dma_start3A_159] : memref<10112x32xf32, #tpu.memory_space<vmem_shared>> -> memref<10112x32xf32, #tpu.memory_space<vmem_shared>>
        tpu.enqueue_indirect_dma source(%arg12 : memref<128x32xf32, #tpu.memory_space<vmem>>) target(%dma_start3A_160 : memref<10112x32xf32, #tpu.memory_space<vmem_shared>>) offsets(%dma_start3A_157 : memref<128xi32, #tpu.memory_space<vmem>>) semaphore(%run_scoped3A_154 : memref<!tpu.dma_semaphore, #tpu.memory_space<semaphore_mem>>) {add = true}
        %dma_wait3A_161 = arith.constant 0 : i32
        %dma_wait3A_162 = tpu.memref_slice %arg8[%add3A_142, %dma_wait3A_161] : memref<80x128xi32, #tpu.memory_space<vmem>> -> memref<1x128xi32, #tpu.memory_space<vmem>>
        %dma_wait3A_163 = tpu.memref_squeeze %dma_wait3A_162 : memref<1x128xi32, #tpu.memory_space<vmem>> -> memref<128xi32, #tpu.memory_space<vmem>>
        %dma_wait3A_164 = arith.constant 0 : i32
        %dma_wait3A_165 = arith.constant 0 : i32
        %dma_wait3A_166 = tpu.memref_slice %arg13[%dma_wait3A_164, %dma_wait3A_165] : memref<10112x32xf32, #tpu.memory_space<vmem_shared>> -> memref<10112x32xf32, #tpu.memory_space<vmem_shared>>
        tpu.wait_indirect_dma semaphore(%run_scoped3A_154 : memref<!tpu.dma_semaphore, #tpu.memory_space<semaphore_mem>>) src(%arg12 : memref<128x32xf32, #tpu.memory_space<vmem>>) dst(%dma_wait3A_166 : memref<10112x32xf32, #tpu.memory_space<vmem_shared>>)
        tpu.yield
      }) : () -> ()
      %add3A_143 = arith.constant 3 : i32
      %add3A_144 = arith.addi %mul3A_76, %add3A_143 : i32
      %add3A_145 = arith.constant 4 : i32
      %add3A_146 = arith.addi %add3A_144, %add3A_145 : i32
      %dma_start3A_147 = arith.constant 0 : i32
      %dma_start3A_148 = tpu.memref_slice %arg7[%add3A_146, %dma_start3A_147] : memref<80x128xi32, #tpu.memory_space<vmem>> -> memref<1x128xi32, #tpu.memory_space<vmem>>
      %dma_start3A_149 = tpu.memref_squeeze %dma_start3A_148 : memref<1x128xi32, #tpu.memory_space<vmem>> -> memref<128xi32, #tpu.memory_space<vmem>>
      %dma_start3A_150 = arith.constant 0 : i32
      %dma_start3A_151 = arith.constant 0 : i32
      %dma_start3A_152 = tpu.memref_slice %arg2[%dma_start3A_150, %dma_start3A_151] : memref<10000x32xf32, #tpu.memory_space<hbm>> -> memref<10000x32xf32, #tpu.memory_space<hbm>>
      tpu.enqueue_indirect_dma source(%dma_start3A_152 : memref<10000x32xf32, #tpu.memory_space<hbm>>) target(%arg12 : memref<128x32xf32, #tpu.memory_space<vmem>>) offsets(%dma_start3A_149 : memref<128xi32, #tpu.memory_space<vmem>>) semaphore(%arg17 : memref<!tpu.dma_semaphore, #tpu.memory_space<semaphore_mem>>)
      %scan3A_153 = arith.constant 0 : i32
      scf.yield %scan3A_153 : i32
    }
    %scan3A_37 = arith.constant 19 : i32
    %dma_wait3A = arith.constant 0 : i32
    %dma_wait3A_38 = arith.constant 0 : i32
    %dma_wait3A_39 = tpu.memref_slice %arg7[%dma_wait3A, %dma_wait3A_38] : memref<80x128xi32, #tpu.memory_space<vmem>> -> memref<1x128xi32, #tpu.memory_space<vmem>>
    %dma_wait3A_40 = tpu.memref_squeeze %dma_wait3A_39 : memref<1x128xi32, #tpu.memory_space<vmem>> -> memref<128xi32, #tpu.memory_space<vmem>>
    %dma_wait3A_41 = arith.constant 0 : i32
    %dma_wait3A_42 = arith.constant 0 : i32
    %dma_wait3A_43 = tpu.memref_slice %arg2[%dma_wait3A_41, %dma_wait3A_42] : memref<10000x32xf32, #tpu.memory_space<hbm>> -> memref<10000x32xf32, #tpu.memory_space<hbm>>
    tpu.wait_indirect_dma semaphore(%arg14 : memref<!tpu.dma_semaphore, #tpu.memory_space<semaphore_mem>>) src(%dma_wait3A_43 : memref<10000x32xf32, #tpu.memory_space<hbm>>) dst(%arg9 : memref<128x32xf32, #tpu.memory_space<vmem>>)
    %run_scoped3A = arith.constant 76 : i32
    "tpu.region"() ({
      %run_scoped3A_73 = tpu.sem_alloc : memref<!tpu.dma_semaphore, #tpu.memory_space<semaphore_mem>>
      %dma_start3A_74 = arith.constant 0 : i32
      %dma_start3A_75 = tpu.memref_slice %arg8[%run_scoped3A, %dma_start3A_74] : memref<80x128xi32, #tpu.memory_space<vmem>> -> memref<1x128xi32, #tpu.memory_space<vmem>>
      %dma_start3A_76 = tpu.memref_squeeze %dma_start3A_75 : memref<1x128xi32, #tpu.memory_space<vmem>> -> memref<128xi32, #tpu.memory_space<vmem>>
      %dma_start3A_77 = arith.constant 0 : i32
      %dma_start3A_78 = arith.constant 0 : i32
      %dma_start3A_79 = tpu.memref_slice %arg13[%dma_start3A_77, %dma_start3A_78] : memref<10112x32xf32, #tpu.memory_space<vmem_shared>> -> memref<10112x32xf32, #tpu.memory_space<vmem_shared>>
      tpu.enqueue_indirect_dma source(%arg9 : memref<128x32xf32, #tpu.memory_space<vmem>>) target(%dma_start3A_79 : memref<10112x32xf32, #tpu.memory_space<vmem_shared>>) offsets(%dma_start3A_76 : memref<128xi32, #tpu.memory_space<vmem>>) semaphore(%run_scoped3A_73 : memref<!tpu.dma_semaphore, #tpu.memory_space<semaphore_mem>>) {add = true}
      %dma_wait3A_80 = arith.constant 0 : i32
      %dma_wait3A_81 = tpu.memref_slice %arg8[%run_scoped3A, %dma_wait3A_80] : memref<80x128xi32, #tpu.memory_space<vmem>> -> memref<1x128xi32, #tpu.memory_space<vmem>>
      %dma_wait3A_82 = tpu.memref_squeeze %dma_wait3A_81 : memref<1x128xi32, #tpu.memory_space<vmem>> -> memref<128xi32, #tpu.memory_space<vmem>>
      %dma_wait3A_83 = arith.constant 0 : i32
      %dma_wait3A_84 = arith.constant 0 : i32
      %dma_wait3A_85 = tpu.memref_slice %arg13[%dma_wait3A_83, %dma_wait3A_84] : memref<10112x32xf32, #tpu.memory_space<vmem_shared>> -> memref<10112x32xf32, #tpu.memory_space<vmem_shared>>
      tpu.wait_indirect_dma semaphore(%run_scoped3A_73 : memref<!tpu.dma_semaphore, #tpu.memory_space<semaphore_mem>>) src(%arg9 : memref<128x32xf32, #tpu.memory_space<vmem>>) dst(%dma_wait3A_85 : memref<10112x32xf32, #tpu.memory_space<vmem_shared>>)
      tpu.yield
    }) : () -> ()
    %dma_wait3A_44 = arith.constant 0 : i32
    %dma_wait3A_45 = arith.constant 0 : i32
    %dma_wait3A_46 = tpu.memref_slice %arg7[%dma_wait3A_44, %dma_wait3A_45] : memref<80x128xi32, #tpu.memory_space<vmem>> -> memref<1x128xi32, #tpu.memory_space<vmem>>
    %dma_wait3A_47 = tpu.memref_squeeze %dma_wait3A_46 : memref<1x128xi32, #tpu.memory_space<vmem>> -> memref<128xi32, #tpu.memory_space<vmem>>
    %dma_wait3A_48 = arith.constant 0 : i32
    %dma_wait3A_49 = arith.constant 0 : i32
    %dma_wait3A_50 = tpu.memref_slice %arg2[%dma_wait3A_48, %dma_wait3A_49] : memref<10000x32xf32, #tpu.memory_space<hbm>> -> memref<10000x32xf32, #tpu.memory_space<hbm>>
    tpu.wait_indirect_dma semaphore(%arg15 : memref<!tpu.dma_semaphore, #tpu.memory_space<semaphore_mem>>) src(%dma_wait3A_50 : memref<10000x32xf32, #tpu.memory_space<hbm>>) dst(%arg10 : memref<128x32xf32, #tpu.memory_space<vmem>>)
    %run_scoped3A_51 = arith.constant 77 : i32
    "tpu.region"() ({
      %run_scoped3A_73 = tpu.sem_alloc : memref<!tpu.dma_semaphore, #tpu.memory_space<semaphore_mem>>
      %dma_start3A_74 = arith.constant 0 : i32
      %dma_start3A_75 = tpu.memref_slice %arg8[%run_scoped3A_51, %dma_start3A_74] : memref<80x128xi32, #tpu.memory_space<vmem>> -> memref<1x128xi32, #tpu.memory_space<vmem>>
      %dma_start3A_76 = tpu.memref_squeeze %dma_start3A_75 : memref<1x128xi32, #tpu.memory_space<vmem>> -> memref<128xi32, #tpu.memory_space<vmem>>
      %dma_start3A_77 = arith.constant 0 : i32
      %dma_start3A_78 = arith.constant 0 : i32
      %dma_start3A_79 = tpu.memref_slice %arg13[%dma_start3A_77, %dma_start3A_78] : memref<10112x32xf32, #tpu.memory_space<vmem_shared>> -> memref<10112x32xf32, #tpu.memory_space<vmem_shared>>
      tpu.enqueue_indirect_dma source(%arg10 : memref<128x32xf32, #tpu.memory_space<vmem>>) target(%dma_start3A_79 : memref<10112x32xf32, #tpu.memory_space<vmem_shared>>) offsets(%dma_start3A_76 : memref<128xi32, #tpu.memory_space<vmem>>) semaphore(%run_scoped3A_73 : memref<!tpu.dma_semaphore, #tpu.memory_space<semaphore_mem>>) {add = true}
      %dma_wait3A_80 = arith.constant 0 : i32
      %dma_wait3A_81 = tpu.memref_slice %arg8[%run_scoped3A_51, %dma_wait3A_80] : memref<80x128xi32, #tpu.memory_space<vmem>> -> memref<1x128xi32, #tpu.memory_space<vmem>>
      %dma_wait3A_82 = tpu.memref_squeeze %dma_wait3A_81 : memref<1x128xi32, #tpu.memory_space<vmem>> -> memref<128xi32, #tpu.memory_space<vmem>>
      %dma_wait3A_83 = arith.constant 0 : i32
      %dma_wait3A_84 = arith.constant 0 : i32
      %dma_wait3A_85 = tpu.memref_slice %arg13[%dma_wait3A_83, %dma_wait3A_84] : memref<10112x32xf32, #tpu.memory_space<vmem_shared>> -> memref<10112x32xf32, #tpu.memory_space<vmem_shared>>
      tpu.wait_indirect_dma semaphore(%run_scoped3A_73 : memref<!tpu.dma_semaphore, #tpu.memory_space<semaphore_mem>>) src(%arg10 : memref<128x32xf32, #tpu.memory_space<vmem>>) dst(%dma_wait3A_85 : memref<10112x32xf32, #tpu.memory_space<vmem_shared>>)
      tpu.yield
    }) : () -> ()
    %dma_wait3A_52 = arith.constant 0 : i32
    %dma_wait3A_53 = arith.constant 0 : i32
    %dma_wait3A_54 = tpu.memref_slice %arg7[%dma_wait3A_52, %dma_wait3A_53] : memref<80x128xi32, #tpu.memory_space<vmem>> -> memref<1x128xi32, #tpu.memory_space<vmem>>
    %dma_wait3A_55 = tpu.memref_squeeze %dma_wait3A_54 : memref<1x128xi32, #tpu.memory_space<vmem>> -> memref<128xi32, #tpu.memory_space<vmem>>
    %dma_wait3A_56 = arith.constant 0 : i32
    %dma_wait3A_57 = arith.constant 0 : i32
    %dma_wait3A_58 = tpu.memref_slice %arg2[%dma_wait3A_56, %dma_wait3A_57] : memref<10000x32xf32, #tpu.memory_space<hbm>> -> memref<10000x32xf32, #tpu.memory_space<hbm>>
    tpu.wait_indirect_dma semaphore(%arg16 : memref<!tpu.dma_semaphore, #tpu.memory_space<semaphore_mem>>) src(%dma_wait3A_58 : memref<10000x32xf32, #tpu.memory_space<hbm>>) dst(%arg11 : memref<128x32xf32, #tpu.memory_space<vmem>>)
    %run_scoped3A_59 = arith.constant 78 : i32
    "tpu.region"() ({
      %run_scoped3A_73 = tpu.sem_alloc : memref<!tpu.dma_semaphore, #tpu.memory_space<semaphore_mem>>
      %dma_start3A_74 = arith.constant 0 : i32
      %dma_start3A_75 = tpu.memref_slice %arg8[%run_scoped3A_59, %dma_start3A_74] : memref<80x128xi32, #tpu.memory_space<vmem>> -> memref<1x128xi32, #tpu.memory_space<vmem>>
      %dma_start3A_76 = tpu.memref_squeeze %dma_start3A_75 : memref<1x128xi32, #tpu.memory_space<vmem>> -> memref<128xi32, #tpu.memory_space<vmem>>
      %dma_start3A_77 = arith.constant 0 : i32
      %dma_start3A_78 = arith.constant 0 : i32
      %dma_start3A_79 = tpu.memref_slice %arg13[%dma_start3A_77, %dma_start3A_78] : memref<10112x32xf32, #tpu.memory_space<vmem_shared>> -> memref<10112x32xf32, #tpu.memory_space<vmem_shared>>
      tpu.enqueue_indirect_dma source(%arg11 : memref<128x32xf32, #tpu.memory_space<vmem>>) target(%dma_start3A_79 : memref<10112x32xf32, #tpu.memory_space<vmem_shared>>) offsets(%dma_start3A_76 : memref<128xi32, #tpu.memory_space<vmem>>) semaphore(%run_scoped3A_73 : memref<!tpu.dma_semaphore, #tpu.memory_space<semaphore_mem>>) {add = true}
      %dma_wait3A_80 = arith.constant 0 : i32
      %dma_wait3A_81 = tpu.memref_slice %arg8[%run_scoped3A_59, %dma_wait3A_80] : memref<80x128xi32, #tpu.memory_space<vmem>> -> memref<1x128xi32, #tpu.memory_space<vmem>>
      %dma_wait3A_82 = tpu.memref_squeeze %dma_wait3A_81 : memref<1x128xi32, #tpu.memory_space<vmem>> -> memref<128xi32, #tpu.memory_space<vmem>>
      %dma_wait3A_83 = arith.constant 0 : i32
      %dma_wait3A_84 = arith.constant 0 : i32
      %dma_wait3A_85 = tpu.memref_slice %arg13[%dma_wait3A_83, %dma_wait3A_84] : memref<10112x32xf32, #tpu.memory_space<vmem_shared>> -> memref<10112x32xf32, #tpu.memory_space<vmem_shared>>
      tpu.wait_indirect_dma semaphore(%run_scoped3A_73 : memref<!tpu.dma_semaphore, #tpu.memory_space<semaphore_mem>>) src(%arg11 : memref<128x32xf32, #tpu.memory_space<vmem>>) dst(%dma_wait3A_85 : memref<10112x32xf32, #tpu.memory_space<vmem_shared>>)
      tpu.yield
    }) : () -> ()
    %dma_wait3A_60 = arith.constant 0 : i32
    %dma_wait3A_61 = arith.constant 0 : i32
    %dma_wait3A_62 = tpu.memref_slice %arg7[%dma_wait3A_60, %dma_wait3A_61] : memref<80x128xi32, #tpu.memory_space<vmem>> -> memref<1x128xi32, #tpu.memory_space<vmem>>
    %dma_wait3A_63 = tpu.memref_squeeze %dma_wait3A_62 : memref<1x128xi32, #tpu.memory_space<vmem>> -> memref<128xi32, #tpu.memory_space<vmem>>
    %dma_wait3A_64 = arith.constant 0 : i32
    %dma_wait3A_65 = arith.constant 0 : i32
    %dma_wait3A_66 = tpu.memref_slice %arg2[%dma_wait3A_64, %dma_wait3A_65] : memref<10000x32xf32, #tpu.memory_space<hbm>> -> memref<10000x32xf32, #tpu.memory_space<hbm>>
    tpu.wait_indirect_dma semaphore(%arg17 : memref<!tpu.dma_semaphore, #tpu.memory_space<semaphore_mem>>) src(%dma_wait3A_66 : memref<10000x32xf32, #tpu.memory_space<hbm>>) dst(%arg12 : memref<128x32xf32, #tpu.memory_space<vmem>>)
    %run_scoped3A_67 = arith.constant 79 : i32
    "tpu.region"() ({
      %run_scoped3A_73 = tpu.sem_alloc : memref<!tpu.dma_semaphore, #tpu.memory_space<semaphore_mem>>
      %dma_start3A_74 = arith.constant 0 : i32
      %dma_start3A_75 = tpu.memref_slice %arg8[%run_scoped3A_67, %dma_start3A_74] : memref<80x128xi32, #tpu.memory_space<vmem>> -> memref<1x128xi32, #tpu.memory_space<vmem>>
      %dma_start3A_76 = tpu.memref_squeeze %dma_start3A_75 : memref<1x128xi32, #tpu.memory_space<vmem>> -> memref<128xi32, #tpu.memory_space<vmem>>
      %dma_start3A_77 = arith.constant 0 : i32
      %dma_start3A_78 = arith.constant 0 : i32
      %dma_start3A_79 = tpu.memref_slice %arg13[%dma_start3A_77, %dma_start3A_78] : memref<10112x32xf32, #tpu.memory_space<vmem_shared>> -> memref<10112x32xf32, #tpu.memory_space<vmem_shared>>
      tpu.enqueue_indirect_dma source(%arg12 : memref<128x32xf32, #tpu.memory_space<vmem>>) target(%dma_start3A_79 : memref<10112x32xf32, #tpu.memory_space<vmem_shared>>) offsets(%dma_start3A_76 : memref<128xi32, #tpu.memory_space<vmem>>) semaphore(%run_scoped3A_73 : memref<!tpu.dma_semaphore, #tpu.memory_space<semaphore_mem>>) {add = true}
      %dma_wait3A_80 = arith.constant 0 : i32
      %dma_wait3A_81 = tpu.memref_slice %arg8[%run_scoped3A_67, %dma_wait3A_80] : memref<80x128xi32, #tpu.memory_space<vmem>> -> memref<1x128xi32, #tpu.memory_space<vmem>>
      %dma_wait3A_82 = tpu.memref_squeeze %dma_wait3A_81 : memref<1x128xi32, #tpu.memory_space<vmem>> -> memref<128xi32, #tpu.memory_space<vmem>>
      %dma_wait3A_83 = arith.constant 0 : i32
      %dma_wait3A_84 = arith.constant 0 : i32
      %dma_wait3A_85 = tpu.memref_slice %arg13[%dma_wait3A_83, %dma_wait3A_84] : memref<10112x32xf32, #tpu.memory_space<vmem_shared>> -> memref<10112x32xf32, #tpu.memory_space<vmem_shared>>
      tpu.wait_indirect_dma semaphore(%run_scoped3A_73 : memref<!tpu.dma_semaphore, #tpu.memory_space<semaphore_mem>>) src(%arg12 : memref<128x32xf32, #tpu.memory_space<vmem>>) dst(%dma_wait3A_85 : memref<10112x32xf32, #tpu.memory_space<vmem_shared>>)
      tpu.yield
    }) : () -> ()
    %barrier3A_68 = arith.constant 0 : index
    tpu.barrier barrier_id(%barrier3A_68)
    %mul3A_69 = arith.constant 632 : i32
    %mul3A_70 = arith.muli %arg1, %mul3A_69 : i32
    %mul3A_71 = arith.constant 632 : i32
    %mul3A_72 = arith.muli %arg1, %mul3A_71 : i32
    "tpu.region"() ({
      %run_scoped3A_73 = tpu.sem_alloc : memref<!tpu.dma_semaphore, #tpu.memory_space<semaphore_mem>>
      %dma_start3A_74 = arith.constant 0 : i32
      %dma_start3A_75 = tpu.memref_slice %arg6[%arg0, %mul3A_72, %dma_start3A_74] : memref<2x10112x32xf32, #tpu.memory_space<hbm>> -> memref<1x632x32xf32, #tpu.memory_space<hbm>>
      %dma_start3A_76 = tpu.memref_squeeze %dma_start3A_75 : memref<1x632x32xf32, #tpu.memory_space<hbm>> -> memref<632x32xf32, #tpu.memory_space<hbm>>
      %dma_start3A_77 = arith.constant 0 : i32
      %dma_start3A_78 = tpu.memref_slice %arg13[%mul3A_70, %dma_start3A_77] : memref<10112x32xf32, #tpu.memory_space<vmem_shared>> -> memref<632x32xf32, #tpu.memory_space<vmem_shared>>
      tpu.enqueue_dma source(%dma_start3A_78 : memref<632x32xf32, #tpu.memory_space<vmem_shared>>) target(%dma_start3A_76 : memref<632x32xf32, #tpu.memory_space<hbm>>) target_semaphore(%run_scoped3A_73 : memref<!tpu.dma_semaphore, #tpu.memory_space<semaphore_mem>>)
      %dma_wait3A_79 = arith.constant 0 : i32
      %dma_wait3A_80 = tpu.memref_slice %arg6[%arg0, %mul3A_72, %dma_wait3A_79] : memref<2x10112x32xf32, #tpu.memory_space<hbm>> -> memref<1x632x32xf32, #tpu.memory_space<hbm>>
      %dma_wait3A_81 = tpu.memref_squeeze %dma_wait3A_80 : memref<1x632x32xf32, #tpu.memory_space<hbm>> -> memref<632x32xf32, #tpu.memory_space<hbm>>
      %dma_wait3A_82 = arith.constant 0 : i32
      %dma_wait3A_83 = tpu.memref_slice %arg13[%mul3A_70, %dma_wait3A_82] : memref<10112x32xf32, #tpu.memory_space<vmem_shared>> -> memref<632x32xf32, #tpu.memory_space<vmem_shared>>
      tpu.wait_dma2 semaphore(%run_scoped3A_73 : memref<!tpu.dma_semaphore, #tpu.memory_space<semaphore_mem>>) src(%dma_wait3A_83 : memref<632x32xf32, #tpu.memory_space<vmem_shared>>) dst(%dma_wait3A_81 : memref<632x32xf32, #tpu.memory_space<hbm>>)
      tpu.yield
    }) : () -> ()
    return
  }
}

module attributes {stable_mosaic.version = 14 : i64} {
  func.func @_tc_mm1_body(%arg0: i32, %arg1: memref<1000x128xf32, #tpu.memory_space<vmem>>, %arg2: memref<128x32xf32, #tpu.memory_space<vmem>>, %arg3: memref<2x1000x16xf32, #tpu.memory_space<vmem>>, %arg4: memref<1000x32xf32, #tpu.memory_space<vmem>>) attributes {dimension_semantics = [#tpu.dimension_semantics<arbitrary>], iteration_bounds = array<i64: 10>, scalar_prefetch = 0 : i64, scratch_operands = 0 : i64, tpu.core_type = #tpu.core_type<tc>, window_params = [{transform_indices = @transform_0, window_bounds = array<i64: 1000, 128>}, {pipeline_mode = #tpu.pipeline_mode<synchronous>, transform_indices = @transform_1, window_bounds = array<i64: 128, 32>}, {transform_indices = @transform_2, window_bounds = array<i64: 2, 1000, 16>}, {transform_indices = @transform_3, window_bounds = array<i64: 1000, 32>}]} {
    %get3A = arith.constant 0 : index
    %get3A_0 = arith.constant 0 : index
    %get3A_1 = arith.constant 0 : index
    %get3A_2 = vector.load %arg3[%get3A, %get3A_0, %get3A_1] : memref<2x1000x16xf32, #tpu.memory_space<vmem>>, vector<2x1000x16xf32>
    %slice3A = vector.extract_strided_slice %get3A_2 {offsets = [0, 0, 0], sizes = [1, 1000, 16], strides = [1, 1, 1]} : vector<2x1000x16xf32> to vector<1x1000x16xf32>
    %squeeze3A = vector.shape_cast %slice3A : vector<1x1000x16xf32> to vector<1000x16xf32>
    %slice3A_3 = vector.extract_strided_slice %get3A_2 {offsets = [1, 0, 0], sizes = [1, 1000, 16], strides = [1, 1, 1]} : vector<2x1000x16xf32> to vector<1x1000x16xf32>
    %squeeze3A_4 = vector.shape_cast %slice3A_3 : vector<1x1000x16xf32> to vector<1000x16xf32>
    %add3A = arith.addf %squeeze3A, %squeeze3A_4 : vector<1000x16xf32>
    %add3A_5 = arith.constant 1.000000e+00 : f32
    %add3A_6 = vector.broadcast %add3A_5 : f32 to vector<1000x16xf32>
    %add3A_7 = arith.addf %add3A, %add3A_6 : vector<1000x16xf32>
    %slice3A_8 = vector.extract_strided_slice %add3A_7 {offsets = [0, 0], sizes = [1000, 1], strides = [1, 1]} : vector<1000x16xf32> to vector<1000x1xf32>
    %rsqrt3A = math.rsqrt %slice3A_8 : vector<1000x1xf32>
    %get3A_9 = arith.constant 0 : index
    %get3A_10 = arith.constant 0 : index
    %get3A_11 = vector.load %arg1[%get3A_9, %get3A_10] : memref<1000x128xf32, #tpu.memory_space<vmem>>, vector<1000x128xf32>
    %get3A_12 = arith.constant 0 : index
    %get3A_13 = arith.constant 0 : index
    %get3A_14 = vector.load %arg2[%get3A_12, %get3A_13] : memref<128x32xf32, #tpu.memory_space<vmem>>, vector<128x32xf32>
    %dot_general3A = arith.constant dense<0.000000e+00> : vector<1000x32xf32>
    %dot_general3A_15 = tpu.matmul %get3A_11, %get3A_14, %dot_general3A {dimension_numbers = #tpu.dot_dimension_numbers<[1], [0], [0], [1], [0, 0, 1, 1], [], []>, transpose_lhs_hint = false} : vector<1000x128xf32>, vector<128x32xf32>, vector<1000x32xf32> -> vector<1000x32xf32>
    %mul3A = vector.broadcast %rsqrt3A : vector<1000x1xf32> to vector<1000x32xf32>
    %mul3A_16 = arith.mulf %dot_general3A_15, %mul3A : vector<1000x32xf32>
    %swap3A = arith.constant 0 : index
    %swap3A_17 = arith.constant 0 : index
    %swap3A_18 = vector.load %arg4[%swap3A, %swap3A_17] : memref<1000x32xf32, #tpu.memory_space<vmem>>, vector<1000x32xf32>
    tpu.vector_store %arg4[%swap3A, %swap3A_17], %mul3A_16 {strides = array<i32>} : memref<1000x32xf32, #tpu.memory_space<vmem>>, vector<1000x32xf32>,
    return
  }
  func.func @transform_0(%arg0: i32) -> (i32, i32) {
    %c0_i32 = arith.constant 0 : i32
    %c0_i32_0 = arith.constant 0 : i32
    return %arg0, %c0_i32 : i32, i32
  }
  func.func @transform_1(%arg0: i32) -> (i32, i32) {
    %c0_i32 = arith.constant 0 : i32
    %c0_i32_0 = arith.constant 0 : i32
    %c0_i32_1 = arith.constant 0 : i32
    return %c0_i32, %c0_i32_0 : i32, i32
  }
  func.func @transform_2(%arg0: i32) -> (i32, i32, i32) {
    %c0_i32 = arith.constant 0 : i32
    %c0_i32_0 = arith.constant 0 : i32
    %c0_i32_1 = arith.constant 0 : i32
    return %c0_i32, %arg0, %c0_i32_0 : i32, i32, i32
  }
  func.func @transform_3(%arg0: i32) -> (i32, i32) {
    %c0_i32 = arith.constant 0 : i32
    %c0_i32_0 = arith.constant 0 : i32
    return %arg0, %c0_i32 : i32, i32
  }
}

module attributes {stable_mosaic.version = 14 : i64} {
  func.func @_tc_mid_body(%arg0: i32, %arg1: memref<1000x32xf32, #tpu.memory_space<vmem>>, %arg2: memref<2x1000x32xf32, #tpu.memory_space<vmem>>, %arg3: memref<2x1000x16xf32, #tpu.memory_space<vmem>>, %arg4: memref<32x32xf32, #tpu.memory_space<vmem>>, %arg5: memref<1x32xf32, #tpu.memory_space<vmem>>, %arg6: memref<1000x32xf32, #tpu.memory_space<vmem>>) attributes {dimension_semantics = [#tpu.dimension_semantics<arbitrary>], iteration_bounds = array<i64: 10>, scalar_prefetch = 0 : i64, scratch_operands = 0 : i64, tpu.core_type = #tpu.core_type<tc>, window_params = [{transform_indices = @transform_0, window_bounds = array<i64: 1000, 32>}, {transform_indices = @transform_1, window_bounds = array<i64: 2, 1000, 32>}, {transform_indices = @transform_2, window_bounds = array<i64: 2, 1000, 16>}, {pipeline_mode = #tpu.pipeline_mode<synchronous>, transform_indices = @transform_3, window_bounds = array<i64: 32, 32>}, {pipeline_mode = #tpu.pipeline_mode<synchronous>, transform_indices = @transform_4, window_bounds = array<i64: 1, 32>}, {transform_indices = @transform_5, window_bounds = array<i64: 1000, 32>}]} {
    %get3A = arith.constant 0 : index
    %get3A_0 = arith.constant 0 : index
    %get3A_1 = arith.constant 0 : index
    %get3A_2 = vector.load %arg3[%get3A, %get3A_0, %get3A_1] : memref<2x1000x16xf32, #tpu.memory_space<vmem>>, vector<2x1000x16xf32>
    %slice3A = vector.extract_strided_slice %get3A_2 {offsets = [0, 0, 0], sizes = [1, 1000, 16], strides = [1, 1, 1]} : vector<2x1000x16xf32> to vector<1x1000x16xf32>
    %squeeze3A = vector.shape_cast %slice3A : vector<1x1000x16xf32> to vector<1000x16xf32>
    %slice3A_3 = vector.extract_strided_slice %get3A_2 {offsets = [1, 0, 0], sizes = [1, 1000, 16], strides = [1, 1, 1]} : vector<2x1000x16xf32> to vector<1x1000x16xf32>
    %squeeze3A_4 = vector.shape_cast %slice3A_3 : vector<1x1000x16xf32> to vector<1000x16xf32>
    %add3A = arith.addf %squeeze3A, %squeeze3A_4 : vector<1000x16xf32>
    %add3A_5 = arith.constant 1.000000e+00 : f32
    %add3A_6 = vector.broadcast %add3A_5 : f32 to vector<1000x16xf32>
    %add3A_7 = arith.addf %add3A, %add3A_6 : vector<1000x16xf32>
    %slice3A_8 = vector.extract_strided_slice %add3A_7 {offsets = [0, 0], sizes = [1000, 1], strides = [1, 1]} : vector<1000x16xf32> to vector<1000x1xf32>
    %rsqrt3A = math.rsqrt %slice3A_8 : vector<1000x1xf32>
    %get3A_9 = arith.constant 0 : index
    %get3A_10 = arith.constant 0 : index
    %get3A_11 = arith.constant 0 : index
    %get3A_12 = vector.load %arg2[%get3A_9, %get3A_10, %get3A_11] : memref<2x1000x32xf32, #tpu.memory_space<vmem>>, vector<2x1000x32xf32>
    %get3A_13 = arith.constant 0 : index
    %get3A_14 = arith.constant 0 : index
    %get3A_15 = vector.load %arg1[%get3A_13, %get3A_14] : memref<1000x32xf32, #tpu.memory_space<vmem>>, vector<1000x32xf32>
    %slice3A_16 = vector.extract_strided_slice %get3A_12 {offsets = [0, 0, 0], sizes = [1, 1000, 32], strides = [1, 1, 1]} : vector<2x1000x32xf32> to vector<1x1000x32xf32>
    %squeeze3A_17 = vector.shape_cast %slice3A_16 : vector<1x1000x32xf32> to vector<1000x32xf32>
    %add3A_18 = arith.addf %get3A_15, %squeeze3A_17 : vector<1000x32xf32>
    %slice3A_19 = vector.extract_strided_slice %get3A_12 {offsets = [1, 0, 0], sizes = [1, 1000, 32], strides = [1, 1, 1]} : vector<2x1000x32xf32> to vector<1x1000x32xf32>
    %squeeze3A_20 = vector.shape_cast %slice3A_19 : vector<1x1000x32xf32> to vector<1000x32xf32>
    %add3A_21 = arith.addf %add3A_18, %squeeze3A_20 : vector<1000x32xf32>
    %mul3A = vector.broadcast %rsqrt3A : vector<1000x1xf32> to vector<1000x32xf32>
    %mul3A_22 = arith.mulf %add3A_21, %mul3A : vector<1000x32xf32>
    %get3A_23 = arith.constant 0 : index
    %get3A_24 = arith.constant 0 : index
    %get3A_25 = vector.load %arg5[%get3A_23, %get3A_24] : memref<1x32xf32, #tpu.memory_space<vmem>>, vector<1x32xf32>
    %add3A_26 = vector.broadcast %get3A_25 : vector<1x32xf32> to vector<1000x32xf32>
    %add3A_27 = arith.addf %mul3A_22, %add3A_26 : vector<1000x32xf32>
    %max3A = arith.constant 0.000000e+00 : f32
    %max3A_28 = vector.broadcast %max3A : f32 to vector<1000x32xf32>
    %max3A_29 = arith.maximumf %add3A_27, %max3A_28 : vector<1000x32xf32>
    %get3A_30 = arith.constant 0 : index
    %get3A_31 = arith.constant 0 : index
    %get3A_32 = vector.load %arg4[%get3A_30, %get3A_31] : memref<32x32xf32, #tpu.memory_space<vmem>>, vector<32x32xf32>
    %dot_general3A = arith.constant dense<0.000000e+00> : vector<1000x32xf32>
    %dot_general3A_33 = tpu.matmul %max3A_29, %get3A_32, %dot_general3A {dimension_numbers = #tpu.dot_dimension_numbers<[1], [0], [0], [1], [0, 0, 1, 1], [], []>, transpose_lhs_hint = false} : vector<1000x32xf32>, vector<32x32xf32>, vector<1000x32xf32> -> vector<1000x32xf32>
    %mul3A_34 = vector.broadcast %rsqrt3A : vector<1000x1xf32> to vector<1000x32xf32>
    %mul3A_35 = arith.mulf %dot_general3A_33, %mul3A_34 : vector<1000x32xf32>
    %swap3A = arith.constant 0 : index
    %swap3A_36 = arith.constant 0 : index
    %swap3A_37 = vector.load %arg6[%swap3A, %swap3A_36] : memref<1000x32xf32, #tpu.memory_space<vmem>>, vector<1000x32xf32>
    tpu.vector_store %arg6[%swap3A, %swap3A_36], %mul3A_35 {strides = array<i32>} : memref<1000x32xf32, #tpu.memory_space<vmem>>, vector<1000x32xf32>,
    return
  }
  func.func @transform_0(%arg0: i32) -> (i32, i32) {
    %c0_i32 = arith.constant 0 : i32
    %c0_i32_0 = arith.constant 0 : i32
    return %arg0, %c0_i32 : i32, i32
  }
  func.func @transform_1(%arg0: i32) -> (i32, i32, i32) {
    %c0_i32 = arith.constant 0 : i32
    %c0_i32_0 = arith.constant 0 : i32
    %c0_i32_1 = arith.constant 0 : i32
    return %c0_i32, %arg0, %c0_i32_0 : i32, i32, i32
  }
  func.func @transform_2(%arg0: i32) -> (i32, i32, i32) {
    %c0_i32 = arith.constant 0 : i32
    %c0_i32_0 = arith.constant 0 : i32
    %c0_i32_1 = arith.constant 0 : i32
    return %c0_i32, %arg0, %c0_i32_0 : i32, i32, i32
  }
  func.func @transform_3(%arg0: i32) -> (i32, i32) {
    %c0_i32 = arith.constant 0 : i32
    %c0_i32_0 = arith.constant 0 : i32
    %c0_i32_1 = arith.constant 0 : i32
    return %c0_i32, %c0_i32_0 : i32, i32
  }
  func.func @transform_4(%arg0: i32) -> (i32, i32) {
    %c0_i32 = arith.constant 0 : i32
    %c0_i32_0 = arith.constant 0 : i32
    %c0_i32_1 = arith.constant 0 : i32
    return %c0_i32, %c0_i32_0 : i32, i32
  }
  func.func @transform_5(%arg0: i32) -> (i32, i32) {
    %c0_i32 = arith.constant 0 : i32
    %c0_i32_0 = arith.constant 0 : i32
    return %arg0, %c0_i32 : i32, i32
  }
}

module attributes {stable_mosaic.version = 14 : i64} {
  func.func @_tc_pool_body(%arg0: i32, %arg1: memref<1000x32xf32, #tpu.memory_space<vmem>>, %arg2: memref<2x1000x32xf32, #tpu.memory_space<vmem>>, %arg3: memref<2x1000x16xf32, #tpu.memory_space<vmem>>, %arg4: memref<1x32xf32, #tpu.memory_space<vmem>>, %arg5: memref<1x1x1000xi32, #tpu.memory_space<vmem>>, %arg6: memref<64x32xf32, #tpu.memory_space<vmem>>, %arg7: memref<64x32xf32, #tpu.memory_space<vmem>>, %arg8: memref<64x32xf32, #tpu.memory_space<vmem>>) attributes {dimension_semantics = [#tpu.dimension_semantics<arbitrary>], iteration_bounds = array<i64: 10>, scalar_prefetch = 0 : i64, scratch_operands = 2 : i64, tpu.core_type = #tpu.core_type<tc>, window_params = [{transform_indices = @transform_0, window_bounds = array<i64: 1000, 32>}, {transform_indices = @transform_1, window_bounds = array<i64: 2, 1000, 32>}, {transform_indices = @transform_2, window_bounds = array<i64: 2, 1000, 16>}, {pipeline_mode = #tpu.pipeline_mode<synchronous>, transform_indices = @transform_3, window_bounds = array<i64: 1, 32>}, {transform_indices = @transform_4, window_bounds = array<i64: 1, 1, 1000>}, {pipeline_mode = #tpu.pipeline_mode<synchronous>, transform_indices = @transform_5, window_bounds = array<i64: 64, 32>}]} {
    %eq3A = arith.constant 0 : i32
    %eq3A_0 = arith.cmpi eq, %arg0, %eq3A : i32
    %convert_element_type3A = arith.extui %eq3A_0 : i1 to i32
    %cond3A = arith.constant 0 : i32
    %cond3A_1 = arith.cmpi ne, %convert_element_type3A, %cond3A : i32
    scf.if %cond3A_1 {
      %broadcast_in_dim3A_62 = arith.constant 0.000000e+00 : f32
      %broadcast_in_dim3A_63 = vector.broadcast %broadcast_in_dim3A_62 : f32 to vector<64x32xf32>
      %swap3A_64 = arith.constant 0 : index
      %swap3A_65 = arith.constant 0 : index
      %swap3A_66 = vector.load %arg7[%swap3A_64, %swap3A_65] : memref<64x32xf32, #tpu.memory_space<vmem>>, vector<64x32xf32>
      tpu.vector_store %arg7[%swap3A_64, %swap3A_65], %broadcast_in_dim3A_63 {strides = array<i32>} : memref<64x32xf32, #tpu.memory_space<vmem>>, vector<64x32xf32>,
      %broadcast_in_dim3A_67 = arith.constant 0.000000e+00 : f32
      %broadcast_in_dim3A_68 = vector.broadcast %broadcast_in_dim3A_67 : f32 to vector<64x32xf32>
      %swap3A_69 = arith.constant 0 : index
      %swap3A_70 = arith.constant 0 : index
      %swap3A_71 = vector.load %arg8[%swap3A_69, %swap3A_70] : memref<64x32xf32, #tpu.memory_space<vmem>>, vector<64x32xf32>
      tpu.vector_store %arg8[%swap3A_69, %swap3A_70], %broadcast_in_dim3A_68 {strides = array<i32>} : memref<64x32xf32, #tpu.memory_space<vmem>>, vector<64x32xf32>,
    } else {
    }
    %get3A = arith.constant 0 : index
    %get3A_2 = arith.constant 0 : index
    %get3A_3 = arith.constant 0 : index
    %get3A_4 = vector.load %arg3[%get3A, %get3A_2, %get3A_3] : memref<2x1000x16xf32, #tpu.memory_space<vmem>>, vector<2x1000x16xf32>
    %slice3A = vector.extract_strided_slice %get3A_4 {offsets = [0, 0, 0], sizes = [1, 1000, 16], strides = [1, 1, 1]} : vector<2x1000x16xf32> to vector<1x1000x16xf32>
    %squeeze3A = vector.shape_cast %slice3A : vector<1x1000x16xf32> to vector<1000x16xf32>
    %slice3A_5 = vector.extract_strided_slice %get3A_4 {offsets = [1, 0, 0], sizes = [1, 1000, 16], strides = [1, 1, 1]} : vector<2x1000x16xf32> to vector<1x1000x16xf32>
    %squeeze3A_6 = vector.shape_cast %slice3A_5 : vector<1x1000x16xf32> to vector<1000x16xf32>
    %add3A = arith.addf %squeeze3A, %squeeze3A_6 : vector<1000x16xf32>
    %add3A_7 = arith.constant 1.000000e+00 : f32
    %add3A_8 = vector.broadcast %add3A_7 : f32 to vector<1000x16xf32>
    %add3A_9 = arith.addf %add3A, %add3A_8 : vector<1000x16xf32>
    %slice3A_10 = vector.extract_strided_slice %add3A_9 {offsets = [0, 0], sizes = [1000, 1], strides = [1, 1]} : vector<1000x16xf32> to vector<1000x1xf32>
    %rsqrt3A = math.rsqrt %slice3A_10 : vector<1000x1xf32>
    %get3A_11 = arith.constant 0 : index
    %get3A_12 = arith.constant 0 : index
    %get3A_13 = arith.constant 0 : index
    %get3A_14 = vector.load %arg2[%get3A_11, %get3A_12, %get3A_13] : memref<2x1000x32xf32, #tpu.memory_space<vmem>>, vector<2x1000x32xf32>
    %get3A_15 = arith.constant 0 : index
    %get3A_16 = arith.constant 0 : index
    %get3A_17 = vector.load %arg1[%get3A_15, %get3A_16] : memref<1000x32xf32, #tpu.memory_space<vmem>>, vector<1000x32xf32>
    %slice3A_18 = vector.extract_strided_slice %get3A_14 {offsets = [0, 0, 0], sizes = [1, 1000, 32], strides = [1, 1, 1]} : vector<2x1000x32xf32> to vector<1x1000x32xf32>
    %squeeze3A_19 = vector.shape_cast %slice3A_18 : vector<1x1000x32xf32> to vector<1000x32xf32>
    %add3A_20 = arith.addf %get3A_17, %squeeze3A_19 : vector<1000x32xf32>
    %slice3A_21 = vector.extract_strided_slice %get3A_14 {offsets = [1, 0, 0], sizes = [1, 1000, 32], strides = [1, 1, 1]} : vector<2x1000x32xf32> to vector<1x1000x32xf32>
    %squeeze3A_22 = vector.shape_cast %slice3A_21 : vector<1x1000x32xf32> to vector<1000x32xf32>
    %add3A_23 = arith.addf %add3A_20, %squeeze3A_22 : vector<1000x32xf32>
    %mul3A = vector.broadcast %rsqrt3A : vector<1000x1xf32> to vector<1000x32xf32>
    %mul3A_24 = arith.mulf %add3A_23, %mul3A : vector<1000x32xf32>
    %get3A_25 = arith.constant 0 : index
    %get3A_26 = arith.constant 0 : index
    %get3A_27 = vector.load %arg4[%get3A_25, %get3A_26] : memref<1x32xf32, #tpu.memory_space<vmem>>, vector<1x32xf32>
    %add3A_28 = vector.broadcast %get3A_27 : vector<1x32xf32> to vector<1000x32xf32>
    %add3A_29 = arith.addf %mul3A_24, %add3A_28 : vector<1000x32xf32>
    %iota3A = tpu.iota {dimensions = array<i32: 0>} : vector<64x1000xi32>
    %get3A_30 = arith.constant 0 : index
    %get3A_31 = arith.constant 0 : index
    %get3A_32 = arith.constant 0 : index
    %get3A_33 = vector.load %arg5[%get3A_30, %get3A_31, %get3A_32] : memref<1x1x1000xi32, #tpu.memory_space<vmem>>, vector<1x1x1000xi32>
    %get3A_34 = vector.shape_cast %get3A_33 : vector<1x1x1000xi32> to vector<1x1000xi32>
    %broadcast_in_dim3A = vector.shape_cast %get3A_34 : vector<1x1000xi32> to vector<1x1000xi32>
    %broadcast_in_dim3A_35 = vector.broadcast %broadcast_in_dim3A : vector<1x1000xi32> to vector<64x1000xi32>
    %eq3A_36 = arith.cmpi eq, %iota3A, %broadcast_in_dim3A_35 : vector<64x1000xi32>
    %convert_element_type3A_37 = arith.extui %eq3A_36 : vector<64x1000xi1> to vector<64x1000xi32>
    %convert_element_type3A_38 = arith.sitofp %convert_element_type3A_37 : vector<64x1000xi32> to vector<64x1000xf32>
    %get3A_39 = arith.constant 0 : index
    %get3A_40 = arith.constant 0 : index
    %get3A_41 = vector.load %arg7[%get3A_39, %get3A_40] : memref<64x32xf32, #tpu.memory_space<vmem>>, vector<64x32xf32>
    %dot_general3A = arith.constant dense<0.000000e+00> : vector<64x32xf32>
    %dot_general3A_42 = tpu.matmul %convert_element_type3A_38, %add3A_29, %dot_general3A {dimension_numbers = #tpu.dot_dimension_numbers<[1], [0], [0], [1], [0, 0, 1, 1], [], []>, transpose_lhs_hint = false} : vector<64x1000xf32>, vector<1000x32xf32>, vector<64x32xf32> -> vector<64x32xf32>
    %add3A_43 = arith.addf %get3A_41, %dot_general3A_42 : vector<64x32xf32>
    %swap3A = arith.constant 0 : index
    %swap3A_44 = arith.constant 0 : index
    %swap3A_45 = vector.load %arg7[%swap3A, %swap3A_44] : memref<64x32xf32, #tpu.memory_space<vmem>>, vector<64x32xf32>
    tpu.vector_store %arg7[%swap3A, %swap3A_44], %add3A_43 {strides = array<i32>} : memref<64x32xf32, #tpu.memory_space<vmem>>, vector<64x32xf32>,
    %get3A_46 = arith.constant 0 : index
    %get3A_47 = arith.constant 0 : index
    %get3A_48 = vector.load %arg8[%get3A_46, %get3A_47] : memref<64x32xf32, #tpu.memory_space<vmem>>, vector<64x32xf32>
    %reduce_sum3A = arith.constant dense<0.000000e+00> : vector<64xf32>
    %reduce_sum3A_49 = vector.multi_reduction <add>, %convert_element_type3A_38, %reduce_sum3A [1] : vector<64x1000xf32> to vector<64xf32>
    %broadcast_in_dim3A_50 = vector.shape_cast %reduce_sum3A_49 : vector<64xf32> to vector<64x1xf32>
    %broadcast_in_dim3A_51 = vector.shape_cast %broadcast_in_dim3A_50 : vector<64x1xf32> to vector<64x1xf32>
    %broadcast_in_dim3A_52 = vector.broadcast %broadcast_in_dim3A_51 : vector<64x1xf32> to vector<64x32xf32>
    %add3A_53 = arith.addf %get3A_48, %broadcast_in_dim3A_52 : vector<64x32xf32>
    %swap3A_54 = arith.constant 0 : index
    %swap3A_55 = arith.constant 0 : index
    %swap3A_56 = vector.load %arg8[%swap3A_54, %swap3A_55] : memref<64x32xf32, #tpu.memory_space<vmem>>, vector<64x32xf32>
    tpu.vector_store %arg8[%swap3A_54, %swap3A_55], %add3A_53 {strides = array<i32>} : memref<64x32xf32, #tpu.memory_space<vmem>>, vector<64x32xf32>,
    %eq3A_57 = arith.constant 9 : i32
    %eq3A_58 = arith.cmpi eq, %arg0, %eq3A_57 : i32
    %convert_element_type3A_59 = arith.extui %eq3A_58 : i1 to i32
    %cond3A_60 = arith.constant 0 : i32
    %cond3A_61 = arith.cmpi ne, %convert_element_type3A_59, %cond3A_60 : i32
    scf.if %cond3A_61 {
      %get3A_62 = arith.constant 0 : index
      %get3A_63 = arith.constant 0 : index
      %get3A_64 = vector.load %arg7[%get3A_62, %get3A_63] : memref<64x32xf32, #tpu.memory_space<vmem>>, vector<64x32xf32>
      %get3A_65 = arith.constant 0 : index
      %get3A_66 = arith.constant 0 : index
      %get3A_67 = vector.load %arg8[%get3A_65, %get3A_66] : memref<64x32xf32, #tpu.memory_space<vmem>>, vector<64x32xf32>
      %max3A = arith.constant 1.000000e+00 : f32
      %max3A_68 = vector.broadcast %max3A : f32 to vector<64x32xf32>
      %max3A_69 = arith.maximumf %get3A_67, %max3A_68 : vector<64x32xf32>
      %div3A = arith.divf %get3A_64, %max3A_69 : vector<64x32xf32>
      %swap3A_70 = arith.constant 0 : index
      %swap3A_71 = arith.constant 0 : index
      %swap3A_72 = vector.load %arg6[%swap3A_70, %swap3A_71] : memref<64x32xf32, #tpu.memory_space<vmem>>, vector<64x32xf32>
      tpu.vector_store %arg6[%swap3A_70, %swap3A_71], %div3A {strides = array<i32>} : memref<64x32xf32, #tpu.memory_space<vmem>>, vector<64x32xf32>,
    } else {
    }
    return
  }
  func.func @transform_0(%arg0: i32) -> (i32, i32) {
    %c0_i32 = arith.constant 0 : i32
    %c0_i32_0 = arith.constant 0 : i32
    return %arg0, %c0_i32 : i32, i32
  }
  func.func @transform_1(%arg0: i32) -> (i32, i32, i32) {
    %c0_i32 = arith.constant 0 : i32
    %c0_i32_0 = arith.constant 0 : i32
    %c0_i32_1 = arith.constant 0 : i32
    return %c0_i32, %arg0, %c0_i32_0 : i32, i32, i32
  }
  func.func @transform_2(%arg0: i32) -> (i32, i32, i32) {
    %c0_i32 = arith.constant 0 : i32
    %c0_i32_0 = arith.constant 0 : i32
    %c0_i32_1 = arith.constant 0 : i32
    return %c0_i32, %arg0, %c0_i32_0 : i32, i32, i32
  }
  func.func @transform_3(%arg0: i32) -> (i32, i32) {
    %c0_i32 = arith.constant 0 : i32
    %c0_i32_0 = arith.constant 0 : i32
    %c0_i32_1 = arith.constant 0 : i32
    return %c0_i32, %c0_i32_0 : i32, i32
  }
  func.func @transform_4(%arg0: i32) -> (i32, i32, i32) {
    %c0_i32 = arith.constant 0 : i32
    %c0_i32_0 = arith.constant 0 : i32
    %c0_i32_1 = arith.constant 0 : i32
    return %arg0, %c0_i32, %c0_i32_0 : i32, i32, i32
  }
  func.func @transform_5(%arg0: i32) -> (i32, i32) {
    %c0_i32 = arith.constant 0 : i32
    %c0_i32_0 = arith.constant 0 : i32
    %c0_i32_1 = arith.constant 0 : i32
    return %c0_i32, %c0_i32_0 : i32, i32
  }
}

</mosaic_0001>

<sc_bundles>
// kernel: kernel.11.cloned.1.call-start
scs
__scs_entry_jumppad:
0x0: {  	(pc) =	sbr.rel $0x88, $3  }
0x1: {  	(tag) =	ssettag $0x0;
	lr =	simm.s32 $0x1  }
0x2: {  	[smem:$0x3F9A] =	sst lr;
	_ =	strace $0xD0000000  }
0x3: {  	_ = 	snop  }
0x4: {  	_ = 	snop  }
0x5: {  	_ = 	snop  }
0x6: {  	_ = 	snop  }
0x7: {  	_ = 	snop  }
__scs_overlays_trampoline_lowered:
0x8: {  	[smem:$0x3FA9] =	sst s0  }
0x9: {  	[smem:$0x3FAA] =	sst s1  }
0xa: {  	[smem:$0x3FAB] =	sst s2  }
0xb: {  	[smem:$0x3FAC] =	sst s3  }
0xc: {  	[smem:$0x3FAD] =	sst s4  }
0xd: {  	[smem:$0x3FAE] =	sst s5  }
0xe: {  	[smem:$0x3FAF] =	sst s6  }
0xf: {  	[smem:$0x3FB0] =	sst s7  }
0x10: {  	[smem:$0x3FB1] =	sst s8  }
0x11: {  	[smem:$0x3FB2] =	sst s9;
	s0 =	simm.s32 @!p0 $0x0  }
0x12: {  	s1 =	sld [smem:$0x3F98];
	s0 =	simm.s32 @p0 $0x1  }
0x13: {  	[smem:$0x3FB3] =	sst s0;
	s0 =	simm.s32 @!p1 $0x0  }
0x14: {  	s2 =	sld [smem:$0x3F97];
	s0 =	simm.s32 @p1 $0x1  }
0x15: {  	[smem:$0x3FB4] =	sst s0;
	s0 =	simm.s32 @!p2 $0x0  }
0x16: {  	s3 =	sld [smem:$0x3FDB];
	s0 =	simm.s32 @p2 $0x1  }
0x17: {  	s4 =	simm.s32 $0x1BF5;
	[smem:$0x3FB6] =	sst s0  }
0x18: {  	s0 =	sld [smem:$0x3F99];
	_ =	swait.ge [sflag:s4], $0x0  }
0x19: {  	s7 =	sld [smem:$0x3F9A]  }
0x1a: {  	s8 =	sadd.s32 $0xFFFFE003, lr  }
0x1b: {  	s9 =	sadd.s32 $0xFFFFFEF7, lr;
	s5 =	simm.s32 $0xFFFFFFFF;
	p2 =	slt.u32 s8, $0xFFFFF086  }
0x1c: {  	p1 =	slt.u32 s9, $0xF7A;
	s5 =	simm.s32 @!p2 $0x0  }
0x1d: {  	s5 =	simm.s32 @p1 $0x1;
	p0 =	seq.s32 s7, s2  }
0x1e: {  	s7 =	smul.u32 @!p0 $0xF7A, s2;
	p2 =	seq.s32 @!p0 s5, $0x0  }
0x1f: {  	s9 =	smul.u32 $0xF7A, s1;
	s8 =	simm.s32 @!p0 $0x1BF5;
	p2 =	por !p2, p0  }
0x20: {  	[sflag:s8] =	ssyncset.s32 @!p0 $0xFFFFF086;
	s6 =	sadd.s32 @!p0 s3, s7;
	s7 =	simm.s32 @!p0 $0x108  }
0x21: {  	s3 =	sadd.s32 s3, s9;
	s6 =	sadd.s32 @!p0 $0x88, s6;
	s7 =	simm.s32 @p2 $0x1082  }
0x22: {  	[simem:s7], [sflag:s8] =	dma.local @!p0 [hbm:s6], $0xF7A  }
0x23: {  	s9 =	sor.u32 $0xD0000000, s2;
	s6 =	simm.s32 $0x108;
	_ =	swait.ge @!p0 [sflag:s8], $0x0  }
0x24: {  	s3 =	sadd.s32 $0x88, s3;
	s6 =	simm.s32 @!p1 $0x1082;
	[sflag:s4] =	ssyncset.s32 $0xFFFFF086  }
0x25: {  	[simem:s6], [sflag:s4] =	dma.local [hbm:s3], $0xF7A  }
0x26: {  	[smem:$0x3F9A] =	sst s1;
	(tag) =	ssettag s2;
	_ =	strace s9  }
0x27: {  	s1 =	sld [smem:$0x3FAA]  }
0x28: {  	s2 =	sld [smem:$0x3FAB]  }
0x29: {  	s4 =	sld [smem:$0x3FAD]  }
0x2a: {  	p0 =	seq.s32 s5, $0x0;
	s5 =	sld [smem:$0x3FAE]  }
0x2b: {  	s6 =	sld [smem:$0x3FAF]  }
0x2c: {  	s7 =	sld [smem:$0x3FB0]  }
0x2d: {  	s3 =	simm.s32 $0x108;
	s8 =	sld [smem:$0x3FB1]  }
0x2e: {  	s3 =	simm.s32 @!p0 $0x1082;
	s9 =	sld [smem:$0x3FB2]  }
0x2f: {  	lr =	sadd.s32 s0, s3;
	s0 =	sld [smem:$0x3FA9]  }
0x30: {  	s3 =	sld [smem:$0x3FAC]  }
0x31: {  	[smem:$0x3FB5] =	sst s10  }
0x32: {  	s10 =	sld [smem:$0x3FB3];
	_ =	sdelay $0x3  }
0x33: {  	p0 =	seq.s32 s10, $0x1;
	s10 =	sld [smem:$0x3FB5];
	_ =	sdelay $0x3  }
0x34: {  	[smem:$0x3FB5] =	sst s10  }
0x35: {  	s10 =	sld [smem:$0x3FB4];
	_ =	sdelay $0x3  }
0x36: {  	p1 =	seq.s32 s10, $0x1;
	s10 =	sld [smem:$0x3FB5];
	_ =	sdelay $0x3  }
0x37: {  	[smem:$0x3FB5] =	sst s10  }
0x38: {  	s10 =	sld [smem:$0x3FB6]  }
0x39: {  	_ = 	snop;
	(pc) =	sbr.ind lr, $3  }
0x3a: {  	_ = 	snop  }
0x3b: {  	_ = 	snop  }
0x3c: {  	p2 =	seq.s32 s10, $0x1;
	s10 =	sld [smem:$0x3FB5]  }
0x3d: {  	_ =	shalt  }
0x3e: {  	_ =	shalt  }
0x3f: {  	_ =	shalt  }
0x40: {  	_ =	shalt  }
0x41: {  	_ =	shalt  }
0x42: {  	_ =	shalt  }
0x43: {  	_ =	shalt  }
0x44: {  	_ =	shalt  }
0x45: {  	_ =	shalt  }
0x46: {  	_ =	shalt  }
0x47: {  	_ =	shalt  }
0x48: {  	_ =	shalt  }
0x49: {  	_ =	shalt  }
0x4a: {  	_ =	shalt  }
0x4b: {  	_ =	shalt  }
0x4c: {  	_ =	shalt  }
0x4d: {  	_ =	shalt  }
0x4e: {  	_ =	shalt  }
0x4f: {  	_ =	shalt  }
0x50: {  	_ =	shalt  }
0x51: {  	_ =	shalt  }
0x52: {  	_ =	shalt  }
0x53: {  	_ =	shalt  }
0x54: {  	_ =	shalt  }
0x55: {  	_ =	shalt  }
0x56: {  	_ =	shalt  }
0x57: {  	_ =	shalt  }
0x58: {  	_ =	shalt  }
0x59: {  	_ =	shalt  }
0x5a: {  	_ =	shalt  }
0x5b: {  	_ =	shalt  }
0x5c: {  	_ =	shalt  }
0x5d: {  	_ =	shalt  }
0x5e: {  	_ =	shalt  }
0x5f: {  	_ =	shalt  }
0x60: {  	_ =	shalt  }
0x61: {  	_ =	shalt  }
0x62: {  	_ =	shalt  }
0x63: {  	_ =	shalt  }
0x64: {  	_ =	shalt  }
0x65: {  	_ =	shalt  }
0x66: {  	_ =	shalt  }
0x67: {  	_ =	shalt  }
0x68: {  	_ =	shalt  }
0x69: {  	_ =	shalt  }
0x6a: {  	_ =	shalt  }
0x6b: {  	_ =	shalt  }
0x6c: {  	_ =	shalt  }
0x6d: {  	_ =	shalt  }
0x6e: {  	_ =	shalt  }
0x6f: {  	_ =	shalt  }
0x70: {  	_ =	shalt  }
0x71: {  	_ =	shalt  }
0x72: {  	_ =	shalt  }
0x73: {  	_ =	shalt  }
0x74: {  	_ =	shalt  }
0x75: {  	_ =	shalt  }
0x76: {  	_ =	shalt  }
0x77: {  	_ =	shalt  }
0x78: {  	_ =	shalt  }
0x79: {  	_ =	shalt  }
0x7a: {  	_ =	shalt  }
0x7b: {  	_ =	shalt  }
0x7c: {  	_ =	shalt  }
0x7d: {  	_ =	shalt  }
0x7e: {  	_ =	shalt  }
0x7f: {  	_ =	shalt  }
0x80: {  	_ =	shalt  }
0x81: {  	_ =	shalt  }
0x82: {  	_ =	shalt  }
0x83: {  	_ =	shalt  }
0x84: {  	_ =	shalt  }
0x85: {  	_ =	shalt  }
0x86: {  	_ =	shalt  }
0x87: {  	_ =	shalt  }
.Lfunc_end0:
.L_simem_size_0:
called_computation.1_lowered:
.L_overlay_start_0:
0x88: {  	s2 =	sld [smem:$0x3FD9]  }
0x89: {  	s3 =	sld [smem:$0x3FFE];
	_ =	sdelay $0x1  }
0x8a: {  	s1 =	srdreg.scid  }
0x8b: {  	s0 =	sand.u32 $0x1, s1  }
0x8c: {  	s16 =	sshll.u32 s0, $0xA;
	s2 =	sadd.s32 s3, s2  }
0x8d: {  	s2 =	sadd.s32 s2, s16  }
0x8e: {  	[smem:$0x3FC1] =	sst s2  }
0x8f: {  	_ = 	snop  }
0x90: {  	(tm) =	ssettm $0x1  }
0x91: {  	s17 =	sld [smem:$0x3FFB];
	_ =	sdelay $0x3  }
0x92: {  	_ =	strace s17  }
0x93: {  	s2 =	sld [smem:$0x3FFC];
	_ =	sdelay $0x3  }
0x94: {  	_ =	strace s2  }
0x95: {  	s2 =	sld [smem:$0x3FFD];
	_ =	sdelay $0x3  }
0x96: {  	_ =	strace s2  }
0x97: {  	_ =	strace $0x8FFFFFFF  }
0x98: {  	s18 =	sld [smem:$0x3FDB];
	_ =	sdelay $0x1  }
0x99: {  	s19 =	simm.s32 $_scs_section_size  }
0x9a: {  	s4 =	simm.s32 $_size__tile_overlayer_lowered;
	s5 =	simm.s32 $_tile_overlayer_lowered  }
0x9b: {  	s22 =	simm.s32 $0x1BFF;
	s21 =	sshll.u32 s5, $0x1;
	s2 =	sadd.s32 s19, s18  }
0x9c: {  	s6 =	simm.s32 $0x0;
	s20 =	sshll.u32 s4, $0x1;
	s4 =	sadd.s32 s21, s2  }
0x9d: {  	[timem:s6], [sflag:s22] =	dma.local [hbm:s4], s20  }
0x9e: {  	_ =	swait.ge [sflag:s22], s20  }
0x9f: {  	s3 =	ssub.s32 $0x0, s20;
	[sflag:s22] =	ssyncset.done $0x0  }
0xa0: {  	[sflag:s22] =	ssyncadd.s32 s3;
	_ =	sdelay $0x1  }
0xa1: {  	s23 =	simm.s32 $0x1B8B  }
0xa2: {  	_ =	swait.ge [sflag:s23], $0x1  }
0xa3: {  	[sflag:s23] =	ssyncset.done $0x0  }
0xa4: {  	s25 =	simm.s32 $0x1B8E;
	s24 =	sld [smem:$0x3FFE];
	[sflag:s23] =	ssyncadd.s32 $0xFFFFFFFF  }
0xa5: {  	s26 =	simm.s32 $execute0_lowered;
	[smem:$0x3FD2] =	sst s25  }
0xa6: {  	s4 =	sshll.u32 s26, $0x1;
	_ =	strace $0x80000049;
	[dreg:$0x1] =	wrdreg $0xFFFFFFFF  }
0xa7: {  	s28 =	simm.s32 $_size_execute0_lowered;
	s2 =	sadd.s32 s2, s4;
	[dreg:$0x0] =	wrdreg $0x0  }
0xa8: {  	s4 =	sshll.u32 s28, $0x1;
	[dreg:$0x2] =	wrdreg s2  }
0xa9: {  	[dreg:$0x3] =	wrdreg s4  }
0xaa: {  	[dreg:$0x4] =	wrdreg $0xC0  }
0xab: {  	_ =	task [dreg:s6], $0x5FFFF  }
0xac: {  	[dreg:$0x1] =	wrdreg $0xFFFFFFFF  }
0xad: {  	[dreg:$0x0] =	wrdreg $0x60  }
0xae: {  	[dreg:$0x2] =	wrdreg s24  }
0xaf: {  	[dreg:$0x3] =	wrdreg $0x90000  }
0xb0: {  	[dreg:$0x4] =	wrdreg $0x9  }
0xb1: {  	_ =	task.clear_ibuf [dreg:s6], $0x5FFFF;
	_ =	strace $0x90000049  }
0xb2: {  	s29 =	simm.s32 $0x9;
	_ =	strace $0x8000004B  }
0xb3: {  	_ =	swait.ge [sflag:s29], $0x1  }
0xb4: {  	[sflag:s29] =	ssyncadd.s32 $0xFFFFFFFF  }
0xb5: {  	_ =	strace $0x9000004B  }
0xb6: {  	_ =	sfence  }
0xb7: {  	s30 =	sld [smem:$0x0];
	_ =	sdelay $0x2  }
0xb8: {  	s31 =	sshll.u32 s1, $0xD;
	s1 =	sshrl.u32 s1, $0x2  }
0xb9: {  	s3 =	sand.u32 $0x4000, s31;
	s1 =	sadd.s32 s1, s30  }
0xba: {  	s0 =	sor.u32 s3, s0;
	s1 =	sshll.u32 s1, $0x11  }
0xbb: {  	s0 =	sor.u32 s1, s0  }
0xbc: {  	s0 =	sadd.s32 $0x8F2B, s0  }
0xbd: {  	[sflag:s0] =	ssyncadd.remote.s32 $0x1  }
0xbe: {  	_ =	sfence.sel $0xFFFF  }
0xbf: {  	[dreg:$0x0] =	wrdreg $0xFFFFFFFF;
	(pc) =	sbr.abs _section_cstart, $3  }
0xc0: {  	[dreg:$0x1] =	wrdreg $0xFFFFFFFF  }
0xc1: {  	_ =	task.clear_ibuf [dreg:s6], $0x2FFFF;
	_ =	strace $0x9FFFFFFF  }
0xc2: {  	(tm) =	ssettm $0x7FFFFFFF  }
0xc3: {  	_ =	shalt  }
tec
execute0_lowered:
.L_overlay_start_1:
0x0: {  	(tag) =	ssettag $0x1  }
0x1: {  	s1 =	srdreg.scid;
	s0 =	stileid.u32  }
0x2: {  	s5 =	rddreg [dreg:$0x0];
	s13 =	simm.s32 $0x2800;
	s14 =	simm.s32 $0x80  }
0x3: {  	s15 =	simm.s32 $0x5000;
	s16 =	simm.s32 $0x6000;
	s17 =	simm.s32 $0x100  }
0x4: {  	s18 =	simm.s32 $0x7000;
	s19 =	simm.s32 $0x180;
	s20 =	simm.s32 $0x8000  }
0x5: {  	s21 =	simm.s32 $0x1;
	s22 =	simm.s32 $0x2;
	s23 =	simm.s32 $0x3  }
0x6: {  	s24 =	simm.s32 $0x4;
	s28 =	simm.s32 $0x4F00;
	s29 =	simm.s32 $0x4F80  }
0x7: {  	s30 =	simm.s32 $0x0;
	s1 =	sand.u32 $0x1, s1;
	s2 =	sshll.u32 s0, $0x1  }
0x8: {  	s7 =	smul.u32 $0x4F00, s0;
	s4 =	sadd.s32 $0xC200, s5;
	s31 =	sshll.u32 s0, $0x6  }
0x9: {  	s3 =	sor.u32 s1, s2;
	s2 =	rddreg [dreg:$0x1];
	s8 =	smul.u32 $0x4F000, s1  }
0xa: {  	s1 =	ssub.s32 $0x2, s1;
	s6 =	smul.u32 $0x500, s3;
	s3 =	simm.s32 $0x0  }
0xb: {  	s26 =	sshrl.u32 s7, $0x3;
	s10 =	sshrl.u32 s1, $0x1;
	s12 =	sadd.s32 s7, s2  }
0xc: {  	[smem:$0x7FF] =	sst s3;
	s25 =	sadd.s32 s7, s8;
	s8 =	sadd.s32 s26, s5  }
0xd: {  	s1 =	ssub.s32 s1, s10;
	s26 =	simm.s32 $0x4E80;
	_ =	strace $0x8000004A  }
0xe: {  	s9 =	sadd.s32 s6, s5;
	s6 =	sshrl.u32 s25, $0x3;
	s10 =	smax.u32 s1, $0x1  }
0xf: {  	s25 =	simm.s32 $0x4E00;
	s11 =	sadd.s32 s6, s5;
	s5 =	sadd.s32 $0x9B200, s8  }
0x10: {  	s6 =	sor.u32 $0x1C05, s31;
	s7 =	sadd.s32 $0x1B000, s9;
	s8 =	sadd.s32 $0x2200, s9  }
0x11: {  	s9 =	sadd.s32 $0xA5000, s11;
	s11 =	sshrl.u32 s12, $0x3;
	s12 =	simm.s32 $0x5  }
.LBB2_1:
0x12: {  	[spmem:s11], [sflag:s6] =	dma.local [hbm:s5], $0x9E0  }
0x13: {  	_ =	swait.ge [sflag:s12], $0x9E0  }
0x14: {  	[sflag:s12] =	ssyncset.done $0x0  }
0x15: {  	[sflag:s12] =	ssyncadd.s32 $0xFFFFF620  }
0x16: {  	[tilespmem:s3], [sflag:$0x5] =	stream.linear.gather [hbm4b:s7+s3], $0x2800, $0x38;
	[tilespmem:$0xDF00] =	vst v63  }
0x17: {  	_ =	swait.ge [sflag:s12], $0x2800  }
0x18: {  	[sflag:s12] =	ssyncset.done $0x0  }
0x19: {  	[sflag:s12] =	ssyncadd.s32 $0xFFFFD800  }
0x1a: {  	[tilespmem:s13], [sflag:$0x5] =	stream.linear.gather [hbm4b:s8+s3], $0x2800, $0x38;
	[tilespmem:$0xDF00] =	vst v63  }
0x1b: {  	_ =	swait.ge [sflag:s12], $0x2800  }
0x1c: {  	[sflag:s12] =	ssyncset.done $0x0  }
0x1d: {  	[sflag:s12] =	ssyncadd.s32 $0xFFFFD800  }
0x1e: {  	[bflag:$0x0] =	sbarrier.arrive $0xFFFF  }
0x1f: {  	[tilespmem:s15], [sflag:$0x1] =	stream.indirect.gather [hbm4b:s4+s14], $0x20, s3, s14, $0xb8;
	[tilespmem:$0xDF00] =	vst v63  }
0x20: {  	_ = 	snop  }
0x21: {  	[tilespmem:s16], [sflag:$0x2] =	stream.indirect.gather [hbm4b:s4+s14], $0x20, s14, s14, $0xb8;
	[tilespmem:$0xDF00] =	vst v63  }
0x22: {  	_ = 	snop  }
0x23: {  	[tilespmem:s18], [sflag:$0x3] =	stream.indirect.gather [hbm4b:s4+s14], $0x20, s17, s14, $0xb8;
	[tilespmem:$0xDF00] =	vst v63  }
0x24: {  	_ = 	snop  }
0x25: {  	[tilespmem:s20], [sflag:$0x4] =	stream.indirect.gather [hbm4b:s4+s14], $0x20, s19, s14, $0xb8;
	[tilespmem:$0xDF00] =	vst v63  }
0x26: {  	_ =	swait.ge [sflag:s21], $0x1000  }
0x27: {  	[sflag:s21] =	ssyncset.done $0x0  }
0x28: {  	s1 =	simm.s32 $0x2800;
	[sflag:s21] =	ssyncadd.s32 $0xFFFFF000  }
0x29: {  	[spmem:s2] =	stream.indirect.scatter.add.f32 [tilespmem:s15], [sflag:$0x5], $0x20, s1, s14, $0xb8;
	[tilespmem:$0xDF00] =	vst v63  }
0x2a: {  	_ =	swait.ge [sflag:s12], $0x1000  }
0x2b: {  	[sflag:s12] =	ssyncset.done $0x0  }
0x2c: {  	s0 =	simm.s32 $0x200;
	[sflag:s12] =	ssyncadd.s32 $0xFFFFF000  }
0x2d: {  	[tilespmem:s15], [sflag:$0x1] =	stream.indirect.gather [hbm4b:s4+s14], $0x20, s0, s14, $0xb8;
	[tilespmem:$0xDF00] =	vst v63  }
0x2e: {  	_ =	swait.ge [sflag:s22], $0x1000  }
0x2f: {  	[sflag:s22] =	ssyncset.done $0x0  }
0x30: {  	s0 =	simm.s32 $0x2880;
	[sflag:s22] =	ssyncadd.s32 $0xFFFFF000  }
0x31: {  	[spmem:s2] =	stream.indirect.scatter.add.f32 [tilespmem:s16], [sflag:$0x5], $0x20, s0, s14, $0xb8;
	[tilespmem:$0xDF00] =	vst v63  }
0x32: {  	_ =	swait.ge [sflag:s12], $0x1000  }
0x33: {  	[sflag:s12] =	ssyncset.done $0x0  }
0x34: {  	s0 =	simm.s32 $0x280;
	[sflag:s12] =	ssyncadd.s32 $0xFFFFF000  }
0x35: {  	[tilespmem:s16], [sflag:$0x2] =	stream.indirect.gather [hbm4b:s4+s14], $0x20, s0, s14, $0xb8;
	[tilespmem:$0xDF00] =	vst v63  }
0x36: {  	_ =	swait.ge [sflag:s23], $0x1000  }
0x37: {  	[sflag:s23] =	ssyncset.done $0x0  }
0x38: {  	s0 =	simm.s32 $0x2900;
	[sflag:s23] =	ssyncadd.s32 $0xFFFFF000  }
0x39: {  	[spmem:s2] =	stream.indirect.scatter.add.f32 [tilespmem:s18], [sflag:$0x5], $0x20, s0, s14, $0xb8;
	[tilespmem:$0xDF00] =	vst v63  }
0x3a: {  	_ =	swait.ge [sflag:s12], $0x1000  }
0x3b: {  	[sflag:s12] =	ssyncset.done $0x0  }
0x3c: {  	s0 =	simm.s32 $0x300;
	[sflag:s12] =	ssyncadd.s32 $0xFFFFF000  }
0x3d: {  	[tilespmem:s18], [sflag:$0x3] =	stream.indirect.gather [hbm4b:s4+s14], $0x20, s0, s14, $0xb8;
	[tilespmem:$0xDF00] =	vst v63  }
0x3e: {  	_ =	swait.ge [sflag:s24], $0x1000  }
0x3f: {  	[sflag:s24] =	ssyncset.done $0x0  }
0x40: {  	s0 =	simm.s32 $0x2980;
	[sflag:s24] =	ssyncadd.s32 $0xFFFFF000  }
0x41: {  	[spmem:s2] =	stream.indirect.scatter.add.f32 [tilespmem:s20], [sflag:$0x5], $0x20, s0, s14, $0xb8;
	[tilespmem:$0xDF00] =	vst v63  }
0x42: {  	_ =	swait.ge [sflag:s12], $0x1000  }
0x43: {  	[sflag:s12] =	ssyncset.done $0x0  }
0x44: {  	s31 =	simm.s32 $0x800;
	s1 =	simm.s32 $0x380;
	[sflag:s12] =	ssyncadd.s32 $0xFFFFF000  }
.LBB2_2:
0x45: {  	[tilespmem:s20], [sflag:$0x4] =	stream.indirect.gather [hbm4b:s4+s14], $0x20, s1, s14, $0xb8;
	[tilespmem:$0xDF00] =	vst v63  }
0x46: {  	s1 =	smov.u32 s31  }
0x47: {  	p0 =	sne.s32 s31, $0x9000;
	s31 =	sadd.s32 $0x800, s31;
	_ =	swait.ge [sflag:s21], $0x1000  }
0x48: {  	s1 =	sshra.s32 s1, $0x2;
	[sflag:s21] =	ssyncset.done $0x0  }
0x49: {  	s0 =	sadd.s32 $0x2800, s1;
	[sflag:s21] =	ssyncadd.s32 $0xFFFFF000  }
0x4a: {  	[spmem:s2] =	stream.indirect.scatter.add.f32 [tilespmem:s15], [sflag:$0x5], $0x20, s0, s14, $0xb8;
	[tilespmem:$0xDF00] =	vst v63  }
0x4b: {  	_ =	swait.ge [sflag:s12], $0x1000  }
0x4c: {  	[sflag:s12] =	ssyncset.done $0x0  }
0x4d: {  	s0 =	sadd.s32 $0x200, s1;
	[sflag:s12] =	ssyncadd.s32 $0xFFFFF000  }
0x4e: {  	[tilespmem:s15], [sflag:$0x1] =	stream.indirect.gather [hbm4b:s4+s14], $0x20, s0, s14, $0xb8;
	[tilespmem:$0xDF00] =	vst v63  }
0x4f: {  	_ =	swait.ge [sflag:s22], $0x1000  }
0x50: {  	[sflag:s22] =	ssyncset.done $0x0  }
0x51: {  	s0 =	sadd.s32 $0x2880, s1;
	[sflag:s22] =	ssyncadd.s32 $0xFFFFF000  }
0x52: {  	[spmem:s2] =	stream.indirect.scatter.add.f32 [tilespmem:s16], [sflag:$0x5], $0x20, s0, s14, $0xb8;
	[tilespmem:$0xDF00] =	vst v63  }
0x53: {  	_ =	swait.ge [sflag:s12], $0x1000  }
0x54: {  	[sflag:s12] =	ssyncset.done $0x0  }
0x55: {  	s0 =	sadd.s32 $0x280, s1;
	[sflag:s12] =	ssyncadd.s32 $0xFFFFF000  }
0x56: {  	[tilespmem:s16], [sflag:$0x2] =	stream.indirect.gather [hbm4b:s4+s14], $0x20, s0, s14, $0xb8;
	[tilespmem:$0xDF00] =	vst v63  }
0x57: {  	_ =	swait.ge [sflag:s23], $0x1000  }
0x58: {  	[sflag:s23] =	ssyncset.done $0x0  }
0x59: {  	s0 =	sadd.s32 $0x2900, s1;
	[sflag:s23] =	ssyncadd.s32 $0xFFFFF000  }
0x5a: {  	[spmem:s2] =	stream.indirect.scatter.add.f32 [tilespmem:s18], [sflag:$0x5], $0x20, s0, s14, $0xb8;
	[tilespmem:$0xDF00] =	vst v63  }
0x5b: {  	_ =	swait.ge [sflag:s12], $0x1000  }
0x5c: {  	[sflag:s12] =	ssyncset.done $0x0  }
0x5d: {  	s0 =	sadd.s32 $0x300, s1;
	[sflag:s12] =	ssyncadd.s32 $0xFFFFF000  }
0x5e: {  	[tilespmem:s18], [sflag:$0x3] =	stream.indirect.gather [hbm4b:s4+s14], $0x20, s0, s14, $0xb8;
	[tilespmem:$0xDF00] =	vst v63  }
0x5f: {  	_ =	swait.ge [sflag:s24], $0x1000  }
0x60: {  	[sflag:s24] =	ssyncset.done $0x0  }
.Ltmp0:
0x61: {  	s0 =	sadd.s32 $0x2980, s1;
	[sflag:s24] =	ssyncadd.s32 $0xFFFFF000;
	(pc) =	sbr.rel @p0 .LBB2_2-.Ltmp0, $4  }
0x62: {  	[spmem:s2] =	stream.indirect.scatter.add.f32 [tilespmem:s20], [sflag:$0x5], $0x20, s0, s14, $0xb8;
	[tilespmem:$0xDF00] =	vst v63  }
0x63: {  	_ =	swait.ge [sflag:s12], $0x1000  }
0x64: {  	[sflag:s12] =	ssyncset.done $0x0  }
0x65: {  	s1 =	sadd.s32 $0x380, s1;
	[sflag:s12] =	ssyncadd.s32 $0xFFFFF000  }
0x66: {  	[tilespmem:s20], [sflag:$0x4] =	stream.indirect.gather [hbm4b:s4+s14], $0x20, s1, s14, $0xb8;
	[tilespmem:$0xDF00] =	vst v63  }
0x67: {  	_ =	swait.ge [sflag:s21], $0x1000  }
0x68: {  	[sflag:s21] =	ssyncset.done $0x0  }
0x69: {  	[sflag:s21] =	ssyncadd.s32 $0xFFFFF000  }
0x6a: {  	[spmem:s2] =	stream.indirect.scatter.add.f32 [tilespmem:s15], [sflag:$0x5], $0x20, s25, s14, $0xb8;
	[tilespmem:$0xDF00] =	vst v63  }
0x6b: {  	_ =	swait.ge [sflag:s12], $0x1000  }
0x6c: {  	[sflag:s12] =	ssyncset.done $0x0  }
0x6d: {  	[sflag:s12] =	ssyncadd.s32 $0xFFFFF000  }
0x6e: {  	_ =	swait.ge [sflag:s22], $0x1000  }
0x6f: {  	[sflag:s22] =	ssyncset.done $0x0  }
0x70: {  	[sflag:s22] =	ssyncadd.s32 $0xFFFFF000  }
0x71: {  	[spmem:s2] =	stream.indirect.scatter.add.f32 [tilespmem:s16], [sflag:$0x5], $0x20, s26, s14, $0xb8;
	[tilespmem:$0xDF00] =	vst v63  }
0x72: {  	_ =	swait.ge [sflag:s12], $0x1000  }
0x73: {  	[sflag:s12] =	ssyncset.done $0x0  }
0x74: {  	[sflag:s12] =	ssyncadd.s32 $0xFFFFF000  }
0x75: {  	_ =	swait.ge [sflag:s23], $0x1000  }
0x76: {  	[sflag:s23] =	ssyncset.done $0x0  }
0x77: {  	[sflag:s23] =	ssyncadd.s32 $0xFFFFF000  }
0x78: {  	[spmem:s2] =	stream.indirect.scatter.add.f32 [tilespmem:s18], [sflag:$0x5], $0x20, s28, s14, $0xb8;
	[tilespmem:$0xDF00] =	vst v63  }
0x79: {  	_ =	swait.ge [sflag:s12], $0x1000  }
0x7a: {  	[sflag:s12] =	ssyncset.done $0x0  }
0x7b: {  	[sflag:s12] =	ssyncadd.s32 $0xFFFFF000  }
0x7c: {  	_ =	swait.ge [sflag:s24], $0x1000  }
0x7d: {  	[sflag:s24] =	ssyncset.done $0x0  }
0x7e: {  	[sflag:s24] =	ssyncadd.s32 $0xFFFFF000  }
0x7f: {  	[spmem:s2] =	stream.indirect.scatter.add.f32 [tilespmem:s20], [sflag:$0x5], $0x20, s29, s14, $0xb8;
	[tilespmem:$0xDF00] =	vst v63  }
0x80: {  	_ =	swait.ge [sflag:s12], $0x1000  }
0x81: {  	s30 =	sadd.s32 $0x1, s30;
	[sflag:s12] =	ssyncset.done $0x0  }
0x82: {  	p0 =	sne.s32 s30, s10;
	[sflag:s12] =	ssyncadd.s32 $0xFFFFF000  }
.Ltmp1:
0x83: {  	[bflag:$0x0] =	sbarrier.arrive $0xFFFF;
	(pc) =	sbr.rel @p0 .LBB2_1-.Ltmp1, $4  }
0x84: {  	[hbm:s9], [sflag:s6] =	dma.local [spmem:s11], $0x9E0  }
0x85: {  	_ =	swait.ge [sflag:s12], $0x9E0  }
0x86: {  	[sflag:s12] =	ssyncset.done $0x0  }
0x87: {  	[sflag:s12] =	ssyncadd.s32 $0xFFFFF620  }
0x88: {  	_ =	sfence.sel $0x180000  }
0x89: {  	[bflag:$0x0] =	sbarrier.arrive $0xFFFF  }
0x8a: {  	_ =	strace $0x9000004A  }
0x8b: {  	s0 =	stileid.u32;
	[bflag:$0x2] =	sbarrier.arrive $0xFFFF  }
0x8c: {  	p0 =	sne.s32 s0, $0x0;
	s0 =	rddreg [dreg:$0x2]  }
0x8d: {  	s0 =	sadd.s32 @!p0 $0x100000, s0  }
0x8e: {  	[sflag:s0] =	ssyncadd.tile.s32 @!p0 $0x1;
	_ =	shalt  }
.Lfunc_end2:
_tile_overlayer_lowered:
.L_overlay_start_2:
0x8f: {  	(tag) =	ssettag $0x2  }
0x90: {  	s0 =	rddreg [dreg:$0x0];
	s2 =	stileid.u32  }
0x91: {  	s1 =	rddreg [dreg:$0x1];
	p0 =	sne.s32 s2, $0x0  }
0x92: {  	s3 =	rddreg [dreg:$0x2];
	[bflag:$0x3] =	sbarrier.arrive $0xFFFF;
	s2 =	simm.s32 @!p0 $0x1C05  }
0x93: {  	[timem:s3], [sflag:s2] =	dma.local @!p0 [hbm:s0], s1  }
0x94: {  	s0 =	simm.s32 @!p0 $0x5  }
0x95: {  	_ =	swait.ge @!p0 [sflag:s0], s1  }
0x96: {  	s1 =	ssub.s32 @!p0 $0x0, s1;
	[sflag:s0] =	ssyncset.done @!p0 $0x0  }
0x97: {  	[sflag:s0] =	ssyncadd.s32 @!p0 s1  }
0x98: {  	[bflag:$0x3] =	sbarrier.arrive $0xFFFF  }
0x99: {  	_ =	shalt  }

// kernel: kernel.14.cloned.1.call-start
scs
__scs_entry_jumppad:
0x0: {  	(pc) =	sbr.rel $0x88, $3  }
0x1: {  	(tag) =	ssettag $0x0;
	lr =	simm.s32 $0x1  }
0x2: {  	[smem:$0x3F9A] =	sst lr;
	_ =	strace $0xD0000000  }
0x3: {  	_ = 	snop  }
0x4: {  	_ = 	snop  }
0x5: {  	_ = 	snop  }
0x6: {  	_ = 	snop  }
0x7: {  	_ = 	snop  }
__scs_overlays_trampoline_lowered:
0x8: {  	[smem:$0x3FA9] =	sst s0  }
0x9: {  	[smem:$0x3FAA] =	sst s1  }
0xa: {  	[smem:$0x3FAB] =	sst s2  }
0xb: {  	[smem:$0x3FAC] =	sst s3  }
0xc: {  	[smem:$0x3FAD] =	sst s4  }
0xd: {  	[smem:$0x3FAE] =	sst s5  }
0xe: {  	[smem:$0x3FAF] =	sst s6  }
0xf: {  	[smem:$0x3FB0] =	sst s7  }
0x10: {  	[smem:$0x3FB1] =	sst s8  }
0x11: {  	[smem:$0x3FB2] =	sst s9;
	s0 =	simm.s32 @!p0 $0x0  }
0x12: {  	s1 =	sld [smem:$0x3F98];
	s0 =	simm.s32 @p0 $0x1  }
0x13: {  	[smem:$0x3FB3] =	sst s0;
	s0 =	simm.s32 @!p1 $0x0  }
0x14: {  	s2 =	sld [smem:$0x3F97];
	s0 =	simm.s32 @p1 $0x1  }
0x15: {  	[smem:$0x3FB4] =	sst s0;
	s0 =	simm.s32 @!p2 $0x0  }
0x16: {  	s3 =	sld [smem:$0x3FDB];
	s0 =	simm.s32 @p2 $0x1  }
0x17: {  	s4 =	simm.s32 $0x1BF5;
	[smem:$0x3FB6] =	sst s0  }
0x18: {  	s0 =	sld [smem:$0x3F99];
	_ =	swait.ge [sflag:s4], $0x0  }
0x19: {  	s7 =	sld [smem:$0x3F9A]  }
0x1a: {  	s8 =	sadd.s32 $0xFFFFE003, lr  }
0x1b: {  	s9 =	sadd.s32 $0xFFFFFEF7, lr;
	s5 =	simm.s32 $0xFFFFFFFF;
	p2 =	slt.u32 s8, $0xFFFFF086  }
0x1c: {  	p1 =	slt.u32 s9, $0xF7A;
	s5 =	simm.s32 @!p2 $0x0  }
0x1d: {  	s5 =	simm.s32 @p1 $0x1;
	p0 =	seq.s32 s7, s2  }
0x1e: {  	s7 =	smul.u32 @!p0 $0xF7A, s2;
	p2 =	seq.s32 @!p0 s5, $0x0  }
0x1f: {  	s9 =	smul.u32 $0xF7A, s1;
	s8 =	simm.s32 @!p0 $0x1BF5;
	p2 =	por !p2, p0  }
0x20: {  	[sflag:s8] =	ssyncset.s32 @!p0 $0xFFFFF086;
	s6 =	sadd.s32 @!p0 s3, s7;
	s7 =	simm.s32 @!p0 $0x108  }
0x21: {  	s3 =	sadd.s32 s3, s9;
	s6 =	sadd.s32 @!p0 $0x88, s6;
	s7 =	simm.s32 @p2 $0x1082  }
0x22: {  	[simem:s7], [sflag:s8] =	dma.local @!p0 [hbm:s6], $0xF7A  }
0x23: {  	s9 =	sor.u32 $0xD0000000, s2;
	s6 =	simm.s32 $0x108;
	_ =	swait.ge @!p0 [sflag:s8], $0x0  }
0x24: {  	s3 =	sadd.s32 $0x88, s3;
	s6 =	simm.s32 @!p1 $0x1082;
	[sflag:s4] =	ssyncset.s32 $0xFFFFF086  }
0x25: {  	[simem:s6], [sflag:s4] =	dma.local [hbm:s3], $0xF7A  }
0x26: {  	[smem:$0x3F9A] =	sst s1;
	(tag) =	ssettag s2;
	_ =	strace s9  }
0x27: {  	s1 =	sld [smem:$0x3FAA]  }
0x28: {  	s2 =	sld [smem:$0x3FAB]  }
0x29: {  	s4 =	sld [smem:$0x3FAD]  }
0x2a: {  	p0 =	seq.s32 s5, $0x0;
	s5 =	sld [smem:$0x3FAE]  }
0x2b: {  	s6 =	sld [smem:$0x3FAF]  }
0x2c: {  	s7 =	sld [smem:$0x3FB0]  }
0x2d: {  	s3 =	simm.s32 $0x108;
	s8 =	sld [smem:$0x3FB1]  }
0x2e: {  	s3 =	simm.s32 @!p0 $0x1082;
	s9 =	sld [smem:$0x3FB2]  }
0x2f: {  	lr =	sadd.s32 s0, s3;
	s0 =	sld [smem:$0x3FA9]  }
0x30: {  	s3 =	sld [smem:$0x3FAC]  }
0x31: {  	[smem:$0x3FB5] =	sst s10  }
0x32: {  	s10 =	sld [smem:$0x3FB3];
	_ =	sdelay $0x3  }
0x33: {  	p0 =	seq.s32 s10, $0x1;
	s10 =	sld [smem:$0x3FB5];
	_ =	sdelay $0x3  }
0x34: {  	[smem:$0x3FB5] =	sst s10  }
0x35: {  	s10 =	sld [smem:$0x3FB4];
	_ =	sdelay $0x3  }
0x36: {  	p1 =	seq.s32 s10, $0x1;
	s10 =	sld [smem:$0x3FB5];
	_ =	sdelay $0x3  }
0x37: {  	[smem:$0x3FB5] =	sst s10  }
0x38: {  	s10 =	sld [smem:$0x3FB6]  }
0x39: {  	_ = 	snop;
	(pc) =	sbr.ind lr, $3  }
0x3a: {  	_ = 	snop  }
0x3b: {  	_ = 	snop  }
0x3c: {  	p2 =	seq.s32 s10, $0x1;
	s10 =	sld [smem:$0x3FB5]  }
0x3d: {  	_ =	shalt  }
0x3e: {  	_ =	shalt  }
0x3f: {  	_ =	shalt  }
0x40: {  	_ =	shalt  }
0x41: {  	_ =	shalt  }
0x42: {  	_ =	shalt  }
0x43: {  	_ =	shalt  }
0x44: {  	_ =	shalt  }
0x45: {  	_ =	shalt  }
0x46: {  	_ =	shalt  }
0x47: {  	_ =	shalt  }
0x48: {  	_ =	shalt  }
0x49: {  	_ =	shalt  }
0x4a: {  	_ =	shalt  }
0x4b: {  	_ =	shalt  }
0x4c: {  	_ =	shalt  }
0x4d: {  	_ =	shalt  }
0x4e: {  	_ =	shalt  }
0x4f: {  	_ =	shalt  }
0x50: {  	_ =	shalt  }
0x51: {  	_ =	shalt  }
0x52: {  	_ =	shalt  }
0x53: {  	_ =	shalt  }
0x54: {  	_ =	shalt  }
0x55: {  	_ =	shalt  }
0x56: {  	_ =	shalt  }
0x57: {  	_ =	shalt  }
0x58: {  	_ =	shalt  }
0x59: {  	_ =	shalt  }
0x5a: {  	_ =	shalt  }
0x5b: {  	_ =	shalt  }
0x5c: {  	_ =	shalt  }
0x5d: {  	_ =	shalt  }
0x5e: {  	_ =	shalt  }
0x5f: {  	_ =	shalt  }
0x60: {  	_ =	shalt  }
0x61: {  	_ =	shalt  }
0x62: {  	_ =	shalt  }
0x63: {  	_ =	shalt  }
0x64: {  	_ =	shalt  }
0x65: {  	_ =	shalt  }
0x66: {  	_ =	shalt  }
0x67: {  	_ =	shalt  }
0x68: {  	_ =	shalt  }
0x69: {  	_ =	shalt  }
0x6a: {  	_ =	shalt  }
0x6b: {  	_ =	shalt  }
0x6c: {  	_ =	shalt  }
0x6d: {  	_ =	shalt  }
0x6e: {  	_ =	shalt  }
0x6f: {  	_ =	shalt  }
0x70: {  	_ =	shalt  }
0x71: {  	_ =	shalt  }
0x72: {  	_ =	shalt  }
0x73: {  	_ =	shalt  }
0x74: {  	_ =	shalt  }
0x75: {  	_ =	shalt  }
0x76: {  	_ =	shalt  }
0x77: {  	_ =	shalt  }
0x78: {  	_ =	shalt  }
0x79: {  	_ =	shalt  }
0x7a: {  	_ =	shalt  }
0x7b: {  	_ =	shalt  }
0x7c: {  	_ =	shalt  }
0x7d: {  	_ =	shalt  }
0x7e: {  	_ =	shalt  }
0x7f: {  	_ =	shalt  }
0x80: {  	_ =	shalt  }
0x81: {  	_ =	shalt  }
0x82: {  	_ =	shalt  }
0x83: {  	_ =	shalt  }
0x84: {  	_ =	shalt  }
0x85: {  	_ =	shalt  }
0x86: {  	_ =	shalt  }
0x87: {  	_ =	shalt  }
.Lfunc_end0:
.L_simem_size_0:
called_computation.2_lowered:
.L_overlay_start_0:
0x88: {  	s2 =	sld [smem:$0x3FD9]  }
0x89: {  	s3 =	sld [smem:$0x3FFE];
	_ =	sdelay $0x1  }
0x8a: {  	s1 =	srdreg.scid  }
0x8b: {  	s0 =	sand.u32 $0x1, s1  }
0x8c: {  	s16 =	sshll.u32 s0, $0xA;
	s2 =	sadd.s32 s3, s2  }
0x8d: {  	s2 =	sadd.s32 s2, s16  }
0x8e: {  	[smem:$0x3FC1] =	sst s2  }
0x8f: {  	_ = 	snop  }
0x90: {  	(tm) =	ssettm $0x1  }
0x91: {  	s17 =	sld [smem:$0x3FFB];
	_ =	sdelay $0x3  }
0x92: {  	_ =	strace s17  }
0x93: {  	s2 =	sld [smem:$0x3FFC];
	_ =	sdelay $0x3  }
0x94: {  	_ =	strace s2  }
0x95: {  	s2 =	sld [smem:$0x3FFD];
	_ =	sdelay $0x3  }
0x96: {  	_ =	strace s2  }
0x97: {  	_ =	strace $0x8FFFFFFF  }
0x98: {  	s18 =	sld [smem:$0x3FDB];
	_ =	sdelay $0x1  }
0x99: {  	s19 =	simm.s32 $_scs_section_size  }
0x9a: {  	s4 =	simm.s32 $_size__tile_overlayer_lowered;
	s5 =	simm.s32 $_tile_overlayer_lowered  }
0x9b: {  	s22 =	simm.s32 $0x1BFF;
	s21 =	sshll.u32 s5, $0x1;
	s2 =	sadd.s32 s19, s18  }
0x9c: {  	s6 =	simm.s32 $0x0;
	s20 =	sshll.u32 s4, $0x1;
	s4 =	sadd.s32 s21, s2  }
0x9d: {  	[timem:s6], [sflag:s22] =	dma.local [hbm:s4], s20  }
0x9e: {  	_ =	swait.ge [sflag:s22], s20  }
0x9f: {  	s3 =	ssub.s32 $0x0, s20;
	[sflag:s22] =	ssyncset.done $0x0  }
0xa0: {  	[sflag:s22] =	ssyncadd.s32 s3;
	_ =	sdelay $0x1  }
0xa1: {  	s23 =	simm.s32 $0x1B8B  }
0xa2: {  	_ =	swait.ge [sflag:s23], $0x1  }
0xa3: {  	[sflag:s23] =	ssyncset.done $0x0  }
0xa4: {  	s25 =	simm.s32 $0x1B8E;
	s24 =	sld [smem:$0x3FFE];
	[sflag:s23] =	ssyncadd.s32 $0xFFFFFFFF  }
0xa5: {  	s26 =	simm.s32 $execute0_lowered;
	[smem:$0x3FD2] =	sst s25  }
0xa6: {  	s4 =	sshll.u32 s26, $0x1;
	_ =	strace $0x8000004C;
	[dreg:$0x1] =	wrdreg $0xFFFFFFFF  }
0xa7: {  	s28 =	simm.s32 $_size_execute0_lowered;
	s2 =	sadd.s32 s2, s4;
	[dreg:$0x0] =	wrdreg $0x0  }
0xa8: {  	s4 =	sshll.u32 s28, $0x1;
	[dreg:$0x2] =	wrdreg s2  }
0xa9: {  	[dreg:$0x3] =	wrdreg s4  }
0xaa: {  	[dreg:$0x4] =	wrdreg $0xC0  }
0xab: {  	_ =	task [dreg:s6], $0x5FFFF  }
0xac: {  	[dreg:$0x1] =	wrdreg $0xFFFFFFFF  }
0xad: {  	[dreg:$0x0] =	wrdreg $0x60  }
0xae: {  	[dreg:$0x2] =	wrdreg s24  }
0xaf: {  	[dreg:$0x3] =	wrdreg $0x90000  }
0xb0: {  	[dreg:$0x4] =	wrdreg $0x9  }
0xb1: {  	_ =	task.clear_ibuf [dreg:s6], $0x5FFFF;
	_ =	strace $0x9000004C  }
0xb2: {  	s29 =	simm.s32 $0x9;
	_ =	strace $0x8000004E  }
0xb3: {  	_ =	swait.ge [sflag:s29], $0x1  }
0xb4: {  	[sflag:s29] =	ssyncadd.s32 $0xFFFFFFFF  }
0xb5: {  	_ =	strace $0x9000004E  }
0xb6: {  	_ =	sfence  }
0xb7: {  	s30 =	sld [smem:$0x0];
	_ =	sdelay $0x2  }
0xb8: {  	s31 =	sshll.u32 s1, $0xD;
	s1 =	sshrl.u32 s1, $0x2  }
0xb9: {  	s3 =	sand.u32 $0x4000, s31;
	s1 =	sadd.s32 s1, s30  }
0xba: {  	s0 =	sor.u32 s3, s0;
	s1 =	sshll.u32 s1, $0x11  }
0xbb: {  	s0 =	sor.u32 s1, s0  }
0xbc: {  	s0 =	sadd.s32 $0x8F2B, s0  }
0xbd: {  	[sflag:s0] =	ssyncadd.remote.s32 $0x1  }
0xbe: {  	_ =	sfence.sel $0xFFFF  }
0xbf: {  	[dreg:$0x0] =	wrdreg $0xFFFFFFFF;
	(pc) =	sbr.abs _section_cstart, $3  }
0xc0: {  	[dreg:$0x1] =	wrdreg $0xFFFFFFFF  }
0xc1: {  	_ =	task.clear_ibuf [dreg:s6], $0x2FFFF;
	_ =	strace $0x9FFFFFFF  }
0xc2: {  	(tm) =	ssettm $0x7FFFFFFF  }
0xc3: {  	_ =	shalt  }
tec
execute0_lowered:
.L_overlay_start_1:
0x0: {  	(tag) =	ssettag $0x1  }
0x1: {  	s1 =	srdreg.scid;
	s0 =	stileid.u32  }
0x2: {  	s5 =	rddreg [dreg:$0x0];
	s13 =	simm.s32 $0x2800;
	s14 =	simm.s32 $0x80  }
0x3: {  	s15 =	simm.s32 $0x5000;
	s16 =	simm.s32 $0x6000;
	s17 =	simm.s32 $0x100  }
0x4: {  	s18 =	simm.s32 $0x7000;
	s19 =	simm.s32 $0x180;
	s20 =	simm.s32 $0x8000  }
0x5: {  	s21 =	simm.s32 $0x1;
	s22 =	simm.s32 $0x2;
	s23 =	simm.s32 $0x3  }
0x6: {  	s24 =	simm.s32 $0x4;
	s28 =	simm.s32 $0x4F00;
	s29 =	simm.s32 $0x4F80  }
0x7: {  	s30 =	simm.s32 $0x0;
	s1 =	sand.u32 $0x1, s1;
	s2 =	sshll.u32 s0, $0x1  }
0x8: {  	s7 =	smul.u32 $0x4F00, s0;
	s4 =	sadd.s32 $0xC200, s5;
	s31 =	sshll.u32 s0, $0x6  }
0x9: {  	s3 =	sor.u32 s1, s2;
	s2 =	rddreg [dreg:$0x1];
	s8 =	smul.u32 $0x4F000, s1  }
0xa: {  	s1 =	ssub.s32 $0x2, s1;
	s6 =	smul.u32 $0x500, s3;
	s3 =	simm.s32 $0x0  }
0xb: {  	s26 =	sshrl.u32 s7, $0x3;
	s10 =	sshrl.u32 s1, $0x1;
	s12 =	sadd.s32 s7, s2  }
0xc: {  	[smem:$0x7FF] =	sst s3;
	s25 =	sadd.s32 s7, s8;
	s8 =	sadd.s32 s26, s5  }
0xd: {  	s1 =	ssub.s32 s1, s10;
	s26 =	simm.s32 $0x4E80;
	_ =	strace $0x8000004D  }
0xe: {  	s9 =	sadd.s32 s6, s5;
	s6 =	sshrl.u32 s25, $0x3;
	s10 =	smax.u32 s1, $0x1  }
0xf: {  	s25 =	simm.s32 $0x4E00;
	s11 =	sadd.s32 s6, s5;
	s5 =	sadd.s32 $0x9B200, s8  }
0x10: {  	s6 =	sor.u32 $0x1C05, s31;
	s7 =	sadd.s32 $0x1B000, s9;
	s8 =	sadd.s32 $0x2200, s9  }
0x11: {  	s9 =	sadd.s32 $0x74000, s11;
	s11 =	sshrl.u32 s12, $0x3;
	s12 =	simm.s32 $0x5  }
.LBB2_1:
0x12: {  	[spmem:s11], [sflag:s6] =	dma.local [hbm:s5], $0x9E0  }
0x13: {  	_ =	swait.ge [sflag:s12], $0x9E0  }
0x14: {  	[sflag:s12] =	ssyncset.done $0x0  }
0x15: {  	[sflag:s12] =	ssyncadd.s32 $0xFFFFF620  }
0x16: {  	[tilespmem:s3], [sflag:$0x5] =	stream.linear.gather [hbm4b:s7+s3], $0x2800, $0x38;
	[tilespmem:$0xDF00] =	vst v63  }
0x17: {  	_ =	swait.ge [sflag:s12], $0x2800  }
0x18: {  	[sflag:s12] =	ssyncset.done $0x0  }
0x19: {  	[sflag:s12] =	ssyncadd.s32 $0xFFFFD800  }
0x1a: {  	[tilespmem:s13], [sflag:$0x5] =	stream.linear.gather [hbm4b:s8+s3], $0x2800, $0x38;
	[tilespmem:$0xDF00] =	vst v63  }
0x1b: {  	_ =	swait.ge [sflag:s12], $0x2800  }
0x1c: {  	[sflag:s12] =	ssyncset.done $0x0  }
0x1d: {  	[sflag:s12] =	ssyncadd.s32 $0xFFFFD800  }
0x1e: {  	[bflag:$0x0] =	sbarrier.arrive $0xFFFF  }
0x1f: {  	[tilespmem:s15], [sflag:$0x1] =	stream.indirect.gather [hbm4b:s4+s14], $0x20, s3, s14, $0xb8;
	[tilespmem:$0xDF00] =	vst v63  }
0x20: {  	_ = 	snop  }
0x21: {  	[tilespmem:s16], [sflag:$0x2] =	stream.indirect.gather [hbm4b:s4+s14], $0x20, s14, s14, $0xb8;
	[tilespmem:$0xDF00] =	vst v63  }
0x22: {  	_ = 	snop  }
0x23: {  	[tilespmem:s18], [sflag:$0x3] =	stream.indirect.gather [hbm4b:s4+s14], $0x20, s17, s14, $0xb8;
	[tilespmem:$0xDF00] =	vst v63  }
0x24: {  	_ = 	snop  }
0x25: {  	[tilespmem:s20], [sflag:$0x4] =	stream.indirect.gather [hbm4b:s4+s14], $0x20, s19, s14, $0xb8;
	[tilespmem:$0xDF00] =	vst v63  }
0x26: {  	_ =	swait.ge [sflag:s21], $0x1000  }
0x27: {  	[sflag:s21] =	ssyncset.done $0x0  }
0x28: {  	s1 =	simm.s32 $0x2800;
	[sflag:s21] =	ssyncadd.s32 $0xFFFFF000  }
0x29: {  	[spmem:s2] =	stream.indirect.scatter.add.f32 [tilespmem:s15], [sflag:$0x5], $0x20, s1, s14, $0xb8;
	[tilespmem:$0xDF00] =	vst v63  }
0x2a: {  	_ =	swait.ge [sflag:s12], $0x1000  }
0x2b: {  	[sflag:s12] =	ssyncset.done $0x0  }
0x2c: {  	s0 =	simm.s32 $0x200;
	[sflag:s12] =	ssyncadd.s32 $0xFFFFF000  }
0x2d: {  	[tilespmem:s15], [sflag:$0x1] =	stream.indirect.gather [hbm4b:s4+s14], $0x20, s0, s14, $0xb8;
	[tilespmem:$0xDF00] =	vst v63  }
0x2e: {  	_ =	swait.ge [sflag:s22], $0x1000  }
0x2f: {  	[sflag:s22] =	ssyncset.done $0x0  }
0x30: {  	s0 =	simm.s32 $0x2880;
	[sflag:s22] =	ssyncadd.s32 $0xFFFFF000  }
0x31: {  	[spmem:s2] =	stream.indirect.scatter.add.f32 [tilespmem:s16], [sflag:$0x5], $0x20, s0, s14, $0xb8;
	[tilespmem:$0xDF00] =	vst v63  }
0x32: {  	_ =	swait.ge [sflag:s12], $0x1000  }
0x33: {  	[sflag:s12] =	ssyncset.done $0x0  }
0x34: {  	s0 =	simm.s32 $0x280;
	[sflag:s12] =	ssyncadd.s32 $0xFFFFF000  }
0x35: {  	[tilespmem:s16], [sflag:$0x2] =	stream.indirect.gather [hbm4b:s4+s14], $0x20, s0, s14, $0xb8;
	[tilespmem:$0xDF00] =	vst v63  }
0x36: {  	_ =	swait.ge [sflag:s23], $0x1000  }
0x37: {  	[sflag:s23] =	ssyncset.done $0x0  }
0x38: {  	s0 =	simm.s32 $0x2900;
	[sflag:s23] =	ssyncadd.s32 $0xFFFFF000  }
0x39: {  	[spmem:s2] =	stream.indirect.scatter.add.f32 [tilespmem:s18], [sflag:$0x5], $0x20, s0, s14, $0xb8;
	[tilespmem:$0xDF00] =	vst v63  }
0x3a: {  	_ =	swait.ge [sflag:s12], $0x1000  }
0x3b: {  	[sflag:s12] =	ssyncset.done $0x0  }
0x3c: {  	s0 =	simm.s32 $0x300;
	[sflag:s12] =	ssyncadd.s32 $0xFFFFF000  }
0x3d: {  	[tilespmem:s18], [sflag:$0x3] =	stream.indirect.gather [hbm4b:s4+s14], $0x20, s0, s14, $0xb8;
	[tilespmem:$0xDF00] =	vst v63  }
0x3e: {  	_ =	swait.ge [sflag:s24], $0x1000  }
0x3f: {  	[sflag:s24] =	ssyncset.done $0x0  }
0x40: {  	s0 =	simm.s32 $0x2980;
	[sflag:s24] =	ssyncadd.s32 $0xFFFFF000  }
0x41: {  	[spmem:s2] =	stream.indirect.scatter.add.f32 [tilespmem:s20], [sflag:$0x5], $0x20, s0, s14, $0xb8;
	[tilespmem:$0xDF00] =	vst v63  }
0x42: {  	_ =	swait.ge [sflag:s12], $0x1000  }
0x43: {  	[sflag:s12] =	ssyncset.done $0x0  }
0x44: {  	s31 =	simm.s32 $0x800;
	s1 =	simm.s32 $0x380;
	[sflag:s12] =	ssyncadd.s32 $0xFFFFF000  }
.LBB2_2:
0x45: {  	[tilespmem:s20], [sflag:$0x4] =	stream.indirect.gather [hbm4b:s4+s14], $0x20, s1, s14, $0xb8;
	[tilespmem:$0xDF00] =	vst v63  }
0x46: {  	s1 =	smov.u32 s31  }
0x47: {  	p0 =	sne.s32 s31, $0x9000;
	s31 =	sadd.s32 $0x800, s31;
	_ =	swait.ge [sflag:s21], $0x1000  }
0x48: {  	s1 =	sshra.s32 s1, $0x2;
	[sflag:s21] =	ssyncset.done $0x0  }
0x49: {  	s0 =	sadd.s32 $0x2800, s1;
	[sflag:s21] =	ssyncadd.s32 $0xFFFFF000  }
0x4a: {  	[spmem:s2] =	stream.indirect.scatter.add.f32 [tilespmem:s15], [sflag:$0x5], $0x20, s0, s14, $0xb8;
	[tilespmem:$0xDF00] =	vst v63  }
0x4b: {  	_ =	swait.ge [sflag:s12], $0x1000  }
0x4c: {  	[sflag:s12] =	ssyncset.done $0x0  }
0x4d: {  	s0 =	sadd.s32 $0x200, s1;
	[sflag:s12] =	ssyncadd.s32 $0xFFFFF000  }
0x4e: {  	[tilespmem:s15], [sflag:$0x1] =	stream.indirect.gather [hbm4b:s4+s14], $0x20, s0, s14, $0xb8;
	[tilespmem:$0xDF00] =	vst v63  }
0x4f: {  	_ =	swait.ge [sflag:s22], $0x1000  }
0x50: {  	[sflag:s22] =	ssyncset.done $0x0  }
0x51: {  	s0 =	sadd.s32 $0x2880, s1;
	[sflag:s22] =	ssyncadd.s32 $0xFFFFF000  }
0x52: {  	[spmem:s2] =	stream.indirect.scatter.add.f32 [tilespmem:s16], [sflag:$0x5], $0x20, s0, s14, $0xb8;
	[tilespmem:$0xDF00] =	vst v63  }
0x53: {  	_ =	swait.ge [sflag:s12], $0x1000  }
0x54: {  	[sflag:s12] =	ssyncset.done $0x0  }
0x55: {  	s0 =	sadd.s32 $0x280, s1;
	[sflag:s12] =	ssyncadd.s32 $0xFFFFF000  }
0x56: {  	[tilespmem:s16], [sflag:$0x2] =	stream.indirect.gather [hbm4b:s4+s14], $0x20, s0, s14, $0xb8;
	[tilespmem:$0xDF00] =	vst v63  }
0x57: {  	_ =	swait.ge [sflag:s23], $0x1000  }
0x58: {  	[sflag:s23] =	ssyncset.done $0x0  }
0x59: {  	s0 =	sadd.s32 $0x2900, s1;
	[sflag:s23] =	ssyncadd.s32 $0xFFFFF000  }
0x5a: {  	[spmem:s2] =	stream.indirect.scatter.add.f32 [tilespmem:s18], [sflag:$0x5], $0x20, s0, s14, $0xb8;
	[tilespmem:$0xDF00] =	vst v63  }
0x5b: {  	_ =	swait.ge [sflag:s12], $0x1000  }
0x5c: {  	[sflag:s12] =	ssyncset.done $0x0  }
0x5d: {  	s0 =	sadd.s32 $0x300, s1;
	[sflag:s12] =	ssyncadd.s32 $0xFFFFF000  }
0x5e: {  	[tilespmem:s18], [sflag:$0x3] =	stream.indirect.gather [hbm4b:s4+s14], $0x20, s0, s14, $0xb8;
	[tilespmem:$0xDF00] =	vst v63  }
0x5f: {  	_ =	swait.ge [sflag:s24], $0x1000  }
0x60: {  	[sflag:s24] =	ssyncset.done $0x0  }
.Ltmp0:
0x61: {  	s0 =	sadd.s32 $0x2980, s1;
	[sflag:s24] =	ssyncadd.s32 $0xFFFFF000;
	(pc) =	sbr.rel @p0 .LBB2_2-.Ltmp0, $4  }
0x62: {  	[spmem:s2] =	stream.indirect.scatter.add.f32 [tilespmem:s20], [sflag:$0x5], $0x20, s0, s14, $0xb8;
	[tilespmem:$0xDF00] =	vst v63  }
0x63: {  	_ =	swait.ge [sflag:s12], $0x1000  }
0x64: {  	[sflag:s12] =	ssyncset.done $0x0  }
0x65: {  	s1 =	sadd.s32 $0x380, s1;
	[sflag:s12] =	ssyncadd.s32 $0xFFFFF000  }
0x66: {  	[tilespmem:s20], [sflag:$0x4] =	stream.indirect.gather [hbm4b:s4+s14], $0x20, s1, s14, $0xb8;
	[tilespmem:$0xDF00] =	vst v63  }
0x67: {  	_ =	swait.ge [sflag:s21], $0x1000  }
0x68: {  	[sflag:s21] =	ssyncset.done $0x0  }
0x69: {  	[sflag:s21] =	ssyncadd.s32 $0xFFFFF000  }
0x6a: {  	[spmem:s2] =	stream.indirect.scatter.add.f32 [tilespmem:s15], [sflag:$0x5], $0x20, s25, s14, $0xb8;
	[tilespmem:$0xDF00] =	vst v63  }
0x6b: {  	_ =	swait.ge [sflag:s12], $0x1000  }
0x6c: {  	[sflag:s12] =	ssyncset.done $0x0  }
0x6d: {  	[sflag:s12] =	ssyncadd.s32 $0xFFFFF000  }
0x6e: {  	_ =	swait.ge [sflag:s22], $0x1000  }
0x6f: {  	[sflag:s22] =	ssyncset.done $0x0  }
0x70: {  	[sflag:s22] =	ssyncadd.s32 $0xFFFFF000  }
0x71: {  	[spmem:s2] =	stream.indirect.scatter.add.f32 [tilespmem:s16], [sflag:$0x5], $0x20, s26, s14, $0xb8;
	[tilespmem:$0xDF00] =	vst v63  }
0x72: {  	_ =	swait.ge [sflag:s12], $0x1000  }
0x73: {  	[sflag:s12] =	ssyncset.done $0x0  }
0x74: {  	[sflag:s12] =	ssyncadd.s32 $0xFFFFF000  }
0x75: {  	_ =	swait.ge [sflag:s23], $0x1000  }
0x76: {  	[sflag:s23] =	ssyncset.done $0x0  }
0x77: {  	[sflag:s23] =	ssyncadd.s32 $0xFFFFF000  }
0x78: {  	[spmem:s2] =	stream.indirect.scatter.add.f32 [tilespmem:s18], [sflag:$0x5], $0x20, s28, s14, $0xb8;
	[tilespmem:$0xDF00] =	vst v63  }
0x79: {  	_ =	swait.ge [sflag:s12], $0x1000  }
0x7a: {  	[sflag:s12] =	ssyncset.done $0x0  }
0x7b: {  	[sflag:s12] =	ssyncadd.s32 $0xFFFFF000  }
0x7c: {  	_ =	swait.ge [sflag:s24], $0x1000  }
0x7d: {  	[sflag:s24] =	ssyncset.done $0x0  }
0x7e: {  	[sflag:s24] =	ssyncadd.s32 $0xFFFFF000  }
0x7f: {  	[spmem:s2] =	stream.indirect.scatter.add.f32 [tilespmem:s20], [sflag:$0x5], $0x20, s29, s14, $0xb8;
	[tilespmem:$0xDF00] =	vst v63  }
0x80: {  	_ =	swait.ge [sflag:s12], $0x1000  }
0x81: {  	s30 =	sadd.s32 $0x1, s30;
	[sflag:s12] =	ssyncset.done $0x0  }
0x82: {  	p0 =	sne.s32 s30, s10;
	[sflag:s12] =	ssyncadd.s32 $0xFFFFF000  }
.Ltmp1:
0x83: {  	[bflag:$0x0] =	sbarrier.arrive $0xFFFF;
	(pc) =	sbr.rel @p0 .LBB2_1-.Ltmp1, $4  }
0x84: {  	[hbm:s9], [sflag:s6] =	dma.local [spmem:s11], $0x9E0  }
0x85: {  	_ =	swait.ge [sflag:s12], $0x9E0  }
0x86: {  	[sflag:s12] =	ssyncset.done $0x0  }
0x87: {  	[sflag:s12] =	ssyncadd.s32 $0xFFFFF620  }
0x88: {  	_ =	sfence.sel $0x180000  }
0x89: {  	[bflag:$0x0] =	sbarrier.arrive $0xFFFF  }
0x8a: {  	_ =	strace $0x9000004D  }
0x8b: {  	s0 =	stileid.u32;
	[bflag:$0x2] =	sbarrier.arrive $0xFFFF  }
0x8c: {  	p0 =	sne.s32 s0, $0x0;
	s0 =	rddreg [dreg:$0x2]  }
0x8d: {  	s0 =	sadd.s32 @!p0 $0x100000, s0  }
0x8e: {  	[sflag:s0] =	ssyncadd.tile.s32 @!p0 $0x1;
	_ =	shalt  }
.Lfunc_end2:
_tile_overlayer_lowered:
.L_overlay_start_2:
0x8f: {  	(tag) =	ssettag $0x2  }
0x90: {  	s0 =	rddreg [dreg:$0x0];
	s2 =	stileid.u32  }
0x91: {  	s1 =	rddreg [dreg:$0x1];
	p0 =	sne.s32 s2, $0x0  }
0x92: {  	s3 =	rddreg [dreg:$0x2];
	[bflag:$0x3] =	sbarrier.arrive $0xFFFF;
	s2 =	simm.s32 @!p0 $0x1C05  }
0x93: {  	[timem:s3], [sflag:s2] =	dma.local @!p0 [hbm:s0], s1  }
0x94: {  	s0 =	simm.s32 @!p0 $0x5  }
0x95: {  	_ =	swait.ge @!p0 [sflag:s0], s1  }
0x96: {  	s1 =	ssub.s32 @!p0 $0x0, s1;
	[sflag:s0] =	ssyncset.done @!p0 $0x0  }
0x97: {  	[sflag:s0] =	ssyncadd.s32 @!p0 s1  }
0x98: {  	[bflag:$0x3] =	sbarrier.arrive $0xFFFF  }
0x99: {  	_ =	shalt  }

// kernel: kernel.8.cloned.1.call-start
scs
__scs_entry_jumppad:
0x0: {  	(pc) =	sbr.rel $0x88, $3  }
0x1: {  	(tag) =	ssettag $0x0;
	lr =	simm.s32 $0x1  }
0x2: {  	[smem:$0x3F9A] =	sst lr;
	_ =	strace $0xD0000000  }
0x3: {  	_ = 	snop  }
0x4: {  	_ = 	snop  }
0x5: {  	_ = 	snop  }
0x6: {  	_ = 	snop  }
0x7: {  	_ = 	snop  }
__scs_overlays_trampoline_lowered:
0x8: {  	[smem:$0x3FA9] =	sst s0  }
0x9: {  	[smem:$0x3FAA] =	sst s1  }
0xa: {  	[smem:$0x3FAB] =	sst s2  }
0xb: {  	[smem:$0x3FAC] =	sst s3  }
0xc: {  	[smem:$0x3FAD] =	sst s4  }
0xd: {  	[smem:$0x3FAE] =	sst s5  }
0xe: {  	[smem:$0x3FAF] =	sst s6  }
0xf: {  	[smem:$0x3FB0] =	sst s7  }
0x10: {  	[smem:$0x3FB1] =	sst s8  }
0x11: {  	[smem:$0x3FB2] =	sst s9;
	s0 =	simm.s32 @!p0 $0x0  }
0x12: {  	s1 =	sld [smem:$0x3F98];
	s0 =	simm.s32 @p0 $0x1  }
0x13: {  	[smem:$0x3FB3] =	sst s0;
	s0 =	simm.s32 @!p1 $0x0  }
0x14: {  	s2 =	sld [smem:$0x3F97];
	s0 =	simm.s32 @p1 $0x1  }
0x15: {  	[smem:$0x3FB4] =	sst s0;
	s0 =	simm.s32 @!p2 $0x0  }
0x16: {  	s3 =	sld [smem:$0x3FDB];
	s0 =	simm.s32 @p2 $0x1  }
0x17: {  	s4 =	simm.s32 $0x1BF5;
	[smem:$0x3FB6] =	sst s0  }
0x18: {  	s0 =	sld [smem:$0x3F99];
	_ =	swait.ge [sflag:s4], $0x0  }
0x19: {  	s7 =	sld [smem:$0x3F9A]  }
0x1a: {  	s8 =	sadd.s32 $0xFFFFE003, lr  }
0x1b: {  	s9 =	sadd.s32 $0xFFFFFEF7, lr;
	s5 =	simm.s32 $0xFFFFFFFF;
	p2 =	slt.u32 s8, $0xFFFFF086  }
0x1c: {  	p1 =	slt.u32 s9, $0xF7A;
	s5 =	simm.s32 @!p2 $0x0  }
0x1d: {  	s5 =	simm.s32 @p1 $0x1;
	p0 =	seq.s32 s7, s2  }
0x1e: {  	s7 =	smul.u32 @!p0 $0xF7A, s2;
	p2 =	seq.s32 @!p0 s5, $0x0  }
0x1f: {  	s9 =	smul.u32 $0xF7A, s1;
	s8 =	simm.s32 @!p0 $0x1BF5;
	p2 =	por !p2, p0  }
0x20: {  	[sflag:s8] =	ssyncset.s32 @!p0 $0xFFFFF086;
	s6 =	sadd.s32 @!p0 s3, s7;
	s7 =	simm.s32 @!p0 $0x108  }
0x21: {  	s3 =	sadd.s32 s3, s9;
	s6 =	sadd.s32 @!p0 $0x88, s6;
	s7 =	simm.s32 @p2 $0x1082  }
0x22: {  	[simem:s7], [sflag:s8] =	dma.local @!p0 [hbm:s6], $0xF7A  }
0x23: {  	s9 =	sor.u32 $0xD0000000, s2;
	s6 =	simm.s32 $0x108;
	_ =	swait.ge @!p0 [sflag:s8], $0x0  }
0x24: {  	s3 =	sadd.s32 $0x88, s3;
	s6 =	simm.s32 @!p1 $0x1082;
	[sflag:s4] =	ssyncset.s32 $0xFFFFF086  }
0x25: {  	[simem:s6], [sflag:s4] =	dma.local [hbm:s3], $0xF7A  }
0x26: {  	[smem:$0x3F9A] =	sst s1;
	(tag) =	ssettag s2;
	_ =	strace s9  }
0x27: {  	s1 =	sld [smem:$0x3FAA]  }
0x28: {  	s2 =	sld [smem:$0x3FAB]  }
0x29: {  	s4 =	sld [smem:$0x3FAD]  }
0x2a: {  	p0 =	seq.s32 s5, $0x0;
	s5 =	sld [smem:$0x3FAE]  }
0x2b: {  	s6 =	sld [smem:$0x3FAF]  }
0x2c: {  	s7 =	sld [smem:$0x3FB0]  }
0x2d: {  	s3 =	simm.s32 $0x108;
	s8 =	sld [smem:$0x3FB1]  }
0x2e: {  	s3 =	simm.s32 @!p0 $0x1082;
	s9 =	sld [smem:$0x3FB2]  }
0x2f: {  	lr =	sadd.s32 s0, s3;
	s0 =	sld [smem:$0x3FA9]  }
0x30: {  	s3 =	sld [smem:$0x3FAC]  }
0x31: {  	[smem:$0x3FB5] =	sst s10  }
0x32: {  	s10 =	sld [smem:$0x3FB3];
	_ =	sdelay $0x3  }
0x33: {  	p0 =	seq.s32 s10, $0x1;
	s10 =	sld [smem:$0x3FB5];
	_ =	sdelay $0x3  }
0x34: {  	[smem:$0x3FB5] =	sst s10  }
0x35: {  	s10 =	sld [smem:$0x3FB4];
	_ =	sdelay $0x3  }
0x36: {  	p1 =	seq.s32 s10, $0x1;
	s10 =	sld [smem:$0x3FB5];
	_ =	sdelay $0x3  }
0x37: {  	[smem:$0x3FB5] =	sst s10  }
0x38: {  	s10 =	sld [smem:$0x3FB6]  }
0x39: {  	_ = 	snop;
	(pc) =	sbr.ind lr, $3  }
0x3a: {  	_ = 	snop  }
0x3b: {  	_ = 	snop  }
0x3c: {  	p2 =	seq.s32 s10, $0x1;
	s10 =	sld [smem:$0x3FB5]  }
0x3d: {  	_ =	shalt  }
0x3e: {  	_ =	shalt  }
0x3f: {  	_ =	shalt  }
0x40: {  	_ =	shalt  }
0x41: {  	_ =	shalt  }
0x42: {  	_ =	shalt  }
0x43: {  	_ =	shalt  }
0x44: {  	_ =	shalt  }
0x45: {  	_ =	shalt  }
0x46: {  	_ =	shalt  }
0x47: {  	_ =	shalt  }
0x48: {  	_ =	shalt  }
0x49: {  	_ =	shalt  }
0x4a: {  	_ =	shalt  }
0x4b: {  	_ =	shalt  }
0x4c: {  	_ =	shalt  }
0x4d: {  	_ =	shalt  }
0x4e: {  	_ =	shalt  }
0x4f: {  	_ =	shalt  }
0x50: {  	_ =	shalt  }
0x51: {  	_ =	shalt  }
0x52: {  	_ =	shalt  }
0x53: {  	_ =	shalt  }
0x54: {  	_ =	shalt  }
0x55: {  	_ =	shalt  }
0x56: {  	_ =	shalt  }
0x57: {  	_ =	shalt  }
0x58: {  	_ =	shalt  }
0x59: {  	_ =	shalt  }
0x5a: {  	_ =	shalt  }
0x5b: {  	_ =	shalt  }
0x5c: {  	_ =	shalt  }
0x5d: {  	_ =	shalt  }
0x5e: {  	_ =	shalt  }
0x5f: {  	_ =	shalt  }
0x60: {  	_ =	shalt  }
0x61: {  	_ =	shalt  }
0x62: {  	_ =	shalt  }
0x63: {  	_ =	shalt  }
0x64: {  	_ =	shalt  }
0x65: {  	_ =	shalt  }
0x66: {  	_ =	shalt  }
0x67: {  	_ =	shalt  }
0x68: {  	_ =	shalt  }
0x69: {  	_ =	shalt  }
0x6a: {  	_ =	shalt  }
0x6b: {  	_ =	shalt  }
0x6c: {  	_ =	shalt  }
0x6d: {  	_ =	shalt  }
0x6e: {  	_ =	shalt  }
0x6f: {  	_ =	shalt  }
0x70: {  	_ =	shalt  }
0x71: {  	_ =	shalt  }
0x72: {  	_ =	shalt  }
0x73: {  	_ =	shalt  }
0x74: {  	_ =	shalt  }
0x75: {  	_ =	shalt  }
0x76: {  	_ =	shalt  }
0x77: {  	_ =	shalt  }
0x78: {  	_ =	shalt  }
0x79: {  	_ =	shalt  }
0x7a: {  	_ =	shalt  }
0x7b: {  	_ =	shalt  }
0x7c: {  	_ =	shalt  }
0x7d: {  	_ =	shalt  }
0x7e: {  	_ =	shalt  }
0x7f: {  	_ =	shalt  }
0x80: {  	_ =	shalt  }
0x81: {  	_ =	shalt  }
0x82: {  	_ =	shalt  }
0x83: {  	_ =	shalt  }
0x84: {  	_ =	shalt  }
0x85: {  	_ =	shalt  }
0x86: {  	_ =	shalt  }
0x87: {  	_ =	shalt  }
.Lfunc_end0:
.L_simem_size_0:
called_computation_lowered:
.L_overlay_start_0:
0x88: {  	s2 =	sld [smem:$0x3FD9]  }
0x89: {  	s3 =	sld [smem:$0x3FFE];
	_ =	sdelay $0x1  }
0x8a: {  	s1 =	srdreg.scid  }
0x8b: {  	s0 =	sand.u32 $0x1, s1  }
0x8c: {  	s17 =	sshll.u32 s0, $0xA;
	s2 =	sadd.s32 s3, s2  }
0x8d: {  	s2 =	sadd.s32 s2, s17  }
0x8e: {  	[smem:$0x3FC1] =	sst s2  }
0x8f: {  	_ = 	snop  }
0x90: {  	s2 =	sld [smem:$0x3FD0];
	(tm) =	ssettm $0x1  }
0x91: {  	s18 =	sld [smem:$0x3FFB];
	_ =	sdelay $0x3  }
0x92: {  	_ =	strace s18  }
0x93: {  	s3 =	sld [smem:$0x3FFC];
	_ =	sdelay $0x3  }
0x94: {  	_ =	strace s3  }
0x95: {  	s3 =	sld [smem:$0x3FFD];
	_ =	sdelay $0x3  }
0x96: {  	_ =	strace s3  }
0x97: {  	_ =	strace $0x8FFFFFFF  }
0x98: {  	s19 =	sld [smem:$0x3FDB];
	_ =	sdelay $0x1  }
0x99: {  	s4 =	simm.s32 $_scs_section_size  }
0x9a: {  	s5 =	simm.s32 $_size__tile_overlayer_lowered;
	s6 =	simm.s32 $_tile_overlayer_lowered  }
0x9b: {  	s22 =	simm.s32 $0x1BFF;
	s21 =	sshll.u32 s6, $0x1;
	s3 =	sadd.s32 s4, s19  }
0x9c: {  	s7 =	simm.s32 $0x0;
	s20 =	sshll.u32 s5, $0x1;
	s5 =	sadd.s32 s21, s3  }
0x9d: {  	[timem:s7], [sflag:s22] =	dma.local [hbm:s5], s20  }
0x9e: {  	_ =	swait.ge [sflag:s22], s20  }
0x9f: {  	s4 =	ssub.s32 $0x0, s20;
	[sflag:s22] =	ssyncset.done $0x0  }
0xa0: {  	[sflag:s22] =	ssyncadd.s32 s4;
	_ =	sdelay $0x1  }
0xa1: {  	s23 =	simm.s32 $0x1B8B  }
0xa2: {  	_ =	swait.ge [sflag:s23], $0x1  }
0xa3: {  	[sflag:s23] =	ssyncset.done $0x0  }
0xa4: {  	s25 =	simm.s32 $0x1B8E;
	s24 =	sld [smem:$0x3FFE];
	[sflag:s23] =	ssyncadd.s32 $0xFFFFFFFF  }
0xa5: {  	s26 =	simm.s32 $execute0_lowered;
	[smem:$0x3FD2] =	sst s25  }
0xa6: {  	s5 =	sshll.u32 s26, $0x1;
	_ =	strace $0x80000046;
	[dreg:$0x1] =	wrdreg $0xFFFFFFFF  }
0xa7: {  	s28 =	simm.s32 $_size_execute0_lowered;
	s3 =	sadd.s32 s3, s5;
	[dreg:$0x0] =	wrdreg $0x0  }
0xa8: {  	s5 =	sshll.u32 s28, $0x1;
	[dreg:$0x2] =	wrdreg s3  }
0xa9: {  	[dreg:$0x3] =	wrdreg s5  }
0xaa: {  	[dreg:$0x4] =	wrdreg $0xC0  }
0xab: {  	_ =	task [dreg:s7], $0x5FFFF  }
0xac: {  	[dreg:$0x1] =	wrdreg $0xFFFFFFFF  }
0xad: {  	[dreg:$0x0] =	wrdreg $0x60  }
0xae: {  	[dreg:$0x2] =	wrdreg s24  }
0xaf: {  	[dreg:$0x3] =	wrdreg s2  }
0xb0: {  	[dreg:$0x4] =	wrdreg $0x30000  }
0xb1: {  	[dreg:$0x5] =	wrdreg $0x9  }
0xb2: {  	_ =	task.clear_ibuf [dreg:s7], $0x6FFFF;
	_ =	strace $0x90000046  }
0xb3: {  	s29 =	simm.s32 $0x9;
	_ =	strace $0x80000048  }
0xb4: {  	_ =	swait.ge [sflag:s29], $0x1  }
0xb5: {  	[sflag:s29] =	ssyncadd.s32 $0xFFFFFFFF  }
0xb6: {  	_ =	strace $0x90000048  }
0xb7: {  	_ =	sfence  }
0xb8: {  	s30 =	sld [smem:$0x0];
	_ =	sdelay $0x2  }
0xb9: {  	s31 =	sshll.u32 s1, $0xD;
	s1 =	sshrl.u32 s1, $0x2  }
0xba: {  	s3 =	sand.u32 $0x4000, s31;
	s1 =	sadd.s32 s1, s30  }
0xbb: {  	s0 =	sor.u32 s3, s0;
	s1 =	sshll.u32 s1, $0x11  }
0xbc: {  	s0 =	sor.u32 s1, s0  }
0xbd: {  	s0 =	sadd.s32 $0x8F2B, s0  }
0xbe: {  	[sflag:s0] =	ssyncadd.remote.s32 $0x1  }
0xbf: {  	_ =	sfence.sel $0xFFFF  }
0xc0: {  	[dreg:$0x0] =	wrdreg $0xFFFFFFFF;
	(pc) =	sbr.abs _section_cstart, $3  }
0xc1: {  	[dreg:$0x1] =	wrdreg $0xFFFFFFFF  }
0xc2: {  	_ =	task.clear_ibuf [dreg:s7], $0x2FFFF;
	_ =	strace $0x9FFFFFFF  }
0xc3: {  	(tm) =	ssettm $0x7FFFFFFF  }
tec
execute0_lowered:
.L_overlay_start_1:
0x0: {  	(tag) =	ssettag $0x1  }
0x1: {  	s5 =	rddreg [dreg:$0x0]  }
0x2: {  	s1 =	srdreg.scid;
	s2 =	rddreg [dreg:$0x1]  }
0x3: {  	s0 =	stileid.u32;
	s3 =	rddreg [dreg:$0x2];
	s4 =	simm.s32 $0x0  }
0x4: {  	s13 =	simm.s32 $0x80;
	s14 =	simm.s32 $0x0;
	s6 =	sand.u32 $0x1, s1  }
0x5: {  	s30 =	sshll.u32 s0, $0x1;
	s8 =	smul.u32 $0x2780, s0;
	[smem:$0x7FF] =	sst s4  }
0x6: {  	s31 =	sshll.u32 s0, $0x6;
	s1 =	sor.u32 s6, s30;
	s9 =	smul.u32 $0x27800, s6  }
0x7: {  	s6 =	ssub.s32 $0x2, s6;
	s7 =	smul.u32 $0x500, s1;
	s1 =	rddreg [dreg:$0x3]  }
0x8: {  	_ =	strace $0x80000047;
	s10 =	sshrl.u32 s8, $0x3;
	s11 =	sshrl.u32 s6, $0x1  }
0x9: {  	s12 =	sadd.s32 s8, s3;
	s9 =	sadd.s32 s8, s9;
	s10 =	sadd.s32 s10, s5  }
0xa: {  	s11 =	ssub.s32 s6, s11;
	s6 =	sor.u32 $0x1C01, s31;
	s9 =	sshrl.u32 s9, $0x3  }
0xb: {  	s7 =	sadd.s32 s7, s5;
	s9 =	sadd.s32 s9, s5;
	s5 =	sadd.s32 $0xC200, s10  }
0xc: {  	s7 =	sadd.s32 $0x2200, s7;
	s10 =	sshrl.u32 s12, $0x3;
	s12 =	simm.s32 $0x2800  }
0xd: {  	s8 =	sadd.s32 $0x11200, s9;
	s9 =	smax.u32 s11, $0x1;
	s11 =	simm.s32 $0x1  }
.LBB2_1:
0xe: {  	[spmem:s10], [sflag:s6] =	dma.local [hbm:s5], $0x4F0  }
0xf: {  	_ =	swait.ge [sflag:s11], $0x4F0  }
0x10: {  	[sflag:s11] =	ssyncset.done $0x0  }
0x11: {  	[sflag:s11] =	ssyncadd.s32 $0xFFFFFB10  }
0x12: {  	[tilespmem:s12], [sflag:$0x1] =	stream.linear.gather [hbm4b:s2+s4], $0x800, $0x38;
	[tilespmem:$0x5780] =	vst v63  }
0x13: {  	_ =	swait.ge [sflag:s11], $0x800  }
0x14: {  	[sflag:s11] =	ssyncset.done $0x0  }
0x15: {  	[sflag:s11] =	ssyncadd.s32 $0xFFFFF800  }
0x16: {  	[tilespmem:s4], [sflag:$0x1] =	stream.linear.gather [hbm4b:s7+s4], $0x2800, $0x38;
	[tilespmem:$0x5780] =	vst v63  }
0x17: {  	_ =	swait.ge [sflag:s11], $0x2800  }
0x18: {  	[sflag:s11] =	ssyncset.done $0x0  }
0x19: {  	[sflag:s11] =	ssyncadd.s32 $0xFFFFD800  }
0x1a: {  	s15 =	simm.s32 $0x0;
	[bflag:$0x0] =	sbarrier.arrive $0xFFFF  }
0x1b: {  	[spmem:s3] =	stream.indirect.scatter.add.f32 [tilespmem:s12], [sflag:$0x1], $0x10, s15, s13, $0xb8;
	[tilespmem:$0x5780] =	vst v63  }
0x1c: {  	_ =	swait.ge [sflag:s11], $0x800  }
0x1d: {  	s15 =	simm.s32 $0x200;
	[sflag:s11] =	ssyncset.done $0x0  }
.LBB2_2:
0x1e: {  	s16 =	sshra.s32 s15, $0x2;
	[sflag:s11] =	ssyncadd.s32 $0xFFFFF800;
	p0 =	sne.s32 s15, $0x9E00  }
0x1f: {  	[spmem:s3] =	stream.indirect.scatter.add.f32 [tilespmem:s12], [sflag:$0x1], $0x10, s16, s13, $0xb8;
	[tilespmem:$0x5780] =	vst v63  }
.Ltmp0:
0x20: {  	_ = 	snop;
	(pc) =	sbr.rel @p0 .LBB2_2-.Ltmp0, $4  }
0x21: {  	_ = 	snop  }
0x22: {  	s15 =	sadd.s32 $0x200, s15  }
0x23: {  	_ =	swait.ge [sflag:s11], $0x800  }
0x24: {  	[sflag:s11] =	ssyncset.done $0x0  }
0x25: {  	s14 =	sadd.s32 $0x1, s14  }
0x26: {  	[sflag:s11] =	ssyncadd.s32 $0xFFFFF800;
	p0 =	sne.s32 s14, s9  }
.Ltmp1:
0x27: {  	[bflag:$0x0] =	sbarrier.arrive $0xFFFF;
	(pc) =	sbr.rel @p0 .LBB2_1-.Ltmp1, $4  }
0x28: {  	[hbm:s8], [sflag:s6] =	dma.local [spmem:s10], $0x4F0  }
0x29: {  	_ =	swait.ge [sflag:s11], $0x4F0  }
0x2a: {  	[sflag:s11] =	ssyncset.done $0x0  }
0x2b: {  	[sflag:s11] =	ssyncadd.s32 $0xFFFFFB10  }
0x2c: {  	_ =	sfence.sel $0x180000  }
0x2d: {  	[bflag:$0x0] =	sbarrier.arrive $0xFFFF  }
0x2e: {  	p0 =	sne.s32 s0, $0x0;
	_ =	strace $0x90000047  }
0x2f: {  	s0 =	sadd.s32 @!p0 $0x100000, s1;
	[bflag:$0x2] =	sbarrier.arrive $0xFFFF  }
0x30: {  	[sflag:s0] =	ssyncadd.tile.s32 @!p0 $0x1;
	_ =	shalt  }
.Lfunc_end2:
_tile_overlayer_lowered:
.L_overlay_start_2:
0x31: {  	(tag) =	ssettag $0x2  }
0x32: {  	s0 =	rddreg [dreg:$0x0];
	s2 =	stileid.u32  }
0x33: {  	s1 =	rddreg [dreg:$0x1];
	p0 =	sne.s32 s2, $0x0  }
0x34: {  	s3 =	rddreg [dreg:$0x2];
	[bflag:$0x3] =	sbarrier.arrive $0xFFFF;
	s2 =	simm.s32 @!p0 $0x1C01  }
0x35: {  	[timem:s3], [sflag:s2] =	dma.local @!p0 [hbm:s0], s1  }
0x36: {  	s0 =	simm.s32 @!p0 $0x1  }
0x37: {  	_ =	swait.ge @!p0 [sflag:s0], s1  }
0x38: {  	s1 =	ssub.s32 @!p0 $0x0, s1;
	[sflag:s0] =	ssyncset.done @!p0 $0x0  }
0x39: {  	[sflag:s0] =	ssyncadd.s32 @!p0 s1  }
0x3a: {  	[bflag:$0x3] =	sbarrier.arrive $0xFFFF  }
0x3b: {  	_ =	shalt  }

</sc_bundles>
